<compile_context>
chip_gen: v7x
topology: tpu7x:2x2x1
jax: 0.10.2.dev20260603
libtpu: 0.0.44.dev20260713+nightly
codegen_flags: <defaults>
</compile_context>

<pallas_src>
import functools

import jax
import jax.numpy as jnp
from jax import lax
from jax.experimental import pallas as pl
from jax.experimental.pallas import tpu as pltpu
from jax.experimental.pallas import tpu_sc as plsc

SCALAR = 20.0
WEIGHT = 0.25
EPS_LS = 0.1

SUB = 500
UNROLL = 8
KB = SUB * UNROLL


def _make_sc_gather(K, D, B):
    info = plsc.get_sparse_core_info()
    NC, NS, L = info.num_cores, info.num_subcores, info.num_lanes
    NW = NC * NS
    W = 2 * D
    assert W % L == 0 and B % (8 * NW) == 0 and b_ok(B, NW)
    b_per_w = B // NW
    mesh = plsc.VectorSubcoreMesh(core_axis_name="c", subcore_axis_name="s")

    @functools.partial(
        pl.kernel,
        mesh=mesh,
        out_type=[
            jax.ShapeDtypeStruct((B, W), jnp.float32),
            jax.ShapeDtypeStruct((B, W), jnp.float32),
        ],
        scratch_types=[
            pltpu.VMEM((b_per_w,), jnp.int32),
            pltpu.VMEM((b_per_w,), jnp.int32),
            pltpu.VMEM((b_per_w, W), jnp.float32),
            pltpu.VMEM((b_per_w, W), jnp.float32),
            pltpu.SemaphoreType.DMA,
        ],
    )
    def gather2(tab_c_hbm, tab_i_hbm, idx_hbm, out_c, out_i,
                idx_v, half_v, rows_c, rows_i, sem):
        wid = lax.axis_index("s") * NC + lax.axis_index("c")
        base = wid * b_per_w
        pltpu.sync_copy(idx_hbm.at[pl.ds(base, b_per_w)], idx_v)
        for j in range(b_per_w // L):
            sl = pl.ds(j * L, L)
            half_v[sl] = lax.shift_right_logical(idx_v[sl], 1)
        pltpu.async_copy(tab_c_hbm.at[half_v], rows_c, sem).wait()
        pltpu.async_copy(tab_i_hbm.at[half_v], rows_i, sem).wait()
        pltpu.sync_copy(rows_c, out_c.at[pl.ds(base, b_per_w)])
        pltpu.sync_copy(rows_i, out_i.at[pl.ds(base, b_per_w)])

    return gather2


def b_ok(B, NW):
    return (B // NW) % 16 == 0


def _fused_body(x_ref, lc_ref, li_ref, gc_ref, gi_ref, t_ref, out_ref,
                m_c, s_c, m_i, s_i, cs_c, cs_i, hub):
    k = pl.program_id(0)
    nb = pl.num_programs(0)
    K = nb * lc_ref.shape[0]
    B = x_ref.shape[0]

    @pl.when(k == 0)
    def _init():
        m_c[...] = jnp.full(m_c.shape, -1e30, jnp.float32)
        m_i[...] = jnp.full(m_i.shape, -1e30, jnp.float32)
        s_c[...] = jnp.zeros(s_c.shape, jnp.float32)
        s_i[...] = jnp.zeros(s_i.shape, jnp.float32)
        cs_c[...] = jnp.zeros(cs_c.shape, jnp.float32)
        cs_i[...] = jnp.zeros(cs_i.shape, jnp.float32)
        hub[...] = jnp.zeros(hub.shape, jnp.float32)

    x = x_ref[...]
    dn = (((1,), (1,)), ((), ()))
    xb = x.astype(jnp.bfloat16)
    for u in range(UNROLL):
        lc = lc_ref[u * SUB:(u + 1) * SUB, :]
        li = li_ref[u * SUB:(u + 1) * SUB, :]
        a = lax.dot_general(xb, lc.astype(jnp.bfloat16), dn,
                            preferred_element_type=jnp.float32) * SCALAR
        c = lax.dot_general(xb, li.astype(jnp.bfloat16), dn,
                            preferred_element_type=jnp.float32) * SCALAR

        m_old = m_c[...]
        m_new = jnp.maximum(m_old, jnp.max(a, axis=1, keepdims=True))
        s_c[...] = (s_c[...] * jnp.exp(m_old - m_new)
                    + jnp.sum(jnp.exp(a - m_new), axis=1, keepdims=True))
        m_c[...] = m_new

        m_old = m_i[...]
        m_new = jnp.maximum(m_old, jnp.max(c, axis=1, keepdims=True))
        s_i[...] = (s_i[...] * jnp.exp(m_old - m_new)
                    + jnp.sum(jnp.exp(c - m_new), axis=1, keepdims=True))
        m_i[...] = m_new

        d = a - c
        ad = jnp.abs(d)
        h = jnp.where(ad < 1.0, 0.5 * d * d, ad - 0.5)
        hub[...] += jnp.sum(h, keepdims=True).reshape(1, 1)

        cs_c[...] += jnp.sum(lc, axis=0, keepdims=True)
        cs_i[...] += jnp.sum(li, axis=0, keepdims=True)

    @pl.when(k == nb - 1)
    def _finalize():
        lse_c = m_c[...] + jnp.log(s_c[...])
        lse_i = m_i[...] + jnp.log(s_i[...])
        D = x.shape[1]
        odd = (t_ref[...] & 1) == 1
        pc = gc_ref[...]
        pi = gi_ref[...]
        g_c = jnp.where(odd, pc[:, D:], pc[:, :D])
        g_i = jnp.where(odd, pi[:, D:], pi[:, :D])
        tgt_c = SCALAR * jnp.sum(x * g_c, axis=1, keepdims=True)
        tgt_i = SCALAR * jnp.sum(x * g_i, axis=1, keepdims=True)
        sum_c = SCALAR * jnp.sum(x * cs_c[...], axis=1, keepdims=True)
        sum_i = SCALAR * jnp.sum(x * cs_i[...], axis=1, keepdims=True)
        inv_k = jnp.float32(1.0 / K)
        ce_c = jnp.mean(lse_c - (1.0 - EPS_LS) * tgt_c - EPS_LS * inv_k * sum_c)
        ce_i = jnp.mean(lse_i - (1.0 - EPS_LS) * tgt_i - EPS_LS * inv_k * sum_i)
        con = jnp.sum(hub[...]) / jnp.float32(B * K)
        out_ref[...] = jnp.broadcast_to(ce_c + ce_i + WEIGHT * con, (1, 1))


def _fused_loss(inputs, lut_ccc, lut_icc, pairs_c, pairs_i, targets2d):
    B, D = inputs.shape
    K = lut_ccc.shape[0]
    assert K % KB == 0
    nb = K // KB
    out = pl.pallas_call(
        _fused_body,
        grid=(nb,),
        in_specs=[
            pl.BlockSpec((B, D), lambda k: (0, 0)),
            pl.BlockSpec((KB, D), lambda k: (k, 0)),
            pl.BlockSpec((KB, D), lambda k: (k, 0)),
            pl.BlockSpec((B, 2 * D), lambda k: (0, 0)),
            pl.BlockSpec((B, 2 * D), lambda k: (0, 0)),
            pl.BlockSpec((B, 1), lambda k: (0, 0)),
        ],
        out_specs=pl.BlockSpec((1, 1), lambda k: (0, 0)),
        out_shape=jax.ShapeDtypeStruct((1, 1), jnp.float32),
        scratch_shapes=[
            pltpu.VMEM((B, 1), jnp.float32),
            pltpu.VMEM((B, 1), jnp.float32),
            pltpu.VMEM((B, 1), jnp.float32),
            pltpu.VMEM((B, 1), jnp.float32),
            pltpu.VMEM((1, D), jnp.float32),
            pltpu.VMEM((1, D), jnp.float32),
            pltpu.VMEM((1, 1), jnp.float32),
        ],
    )(inputs, lut_ccc, lut_icc, pairs_c, pairs_i, targets2d)
    return out[0, 0]


def kernel(inputs, targets, lut_ccc, lut_icc):
    B, D = inputs.shape
    K = lut_ccc.shape[0]
    tab_c = lut_ccc.reshape(K // 2, 2 * D)
    tab_i = lut_icc.reshape(K // 2, 2 * D)
    pairs_c, pairs_i = _make_sc_gather(K, D, B)(tab_c, tab_i, targets)
    return _fused_loss(inputs, lut_ccc, lut_icc, pairs_c, pairs_i,
                       targets.reshape(B, 1))

# --- scband reference (transcript-rebuilt; emitter-appended) ---
"""Pipeline reference for scband-dccloss-7284264534291 (READ-ONLY COPY).

The authoritative reference and input builder live on the scoring server;
editing this copy changes nothing except your own understanding.
"""

import jax, jax.numpy as jnp
import numpy as np

B = 1024
K = 100000
D = 64
SCALAR = 20.0
MOMENTUM = 0.1
WEIGHT = 0.25
EPS_LS = 0.1


def _normalize_rows(x):
    n = jnp.linalg.norm(x, axis=-1, keepdims=True)
    return x / jnp.maximum(n, 1e-12)


def setup_inputs(seed: int = 0) -> dict:
    key = jax.random.key(seed)
    k1, k2, k3, k4 = jax.random.split(key, 4)
    inputs = jax.random.normal(k1, (B, D), dtype=jnp.float32)
    targets = jax.random.randint(k2, (B,), 0, K, dtype=jnp.int32)
    # LUT buffers (registered buffers in the torch module). Initialized to
    # unit-norm random rows (zeros would make the normalization in the
    # update degenerate; after one step of training they are unit-norm).
    lut_ccc = _normalize_rows(jax.random.normal(k3, (K, D), dtype=jnp.float32))
    lut_icc = _normalize_rows(jax.random.normal(k4, (K, D), dtype=jnp.float32))
    return {"inputs": inputs, "targets": targets, "lut_ccc": lut_ccc, "lut_icc": lut_icc}


def _cross_entropy_ls(logits, targets, eps):
    # torch F.cross_entropy with label_smoothing=eps, mean reduction
    logp = jax.nn.log_softmax(logits, axis=1)
    nll = -jnp.take_along_axis(logp, targets[:, None], axis=1)[:, 0]
    smooth = -jnp.mean(logp, axis=1)
    return jnp.mean((1.0 - eps) * nll + eps * smooth)


def _smooth_l1(a, b):
    d = a - b
    ad = jnp.abs(d)
    return jnp.mean(jnp.where(ad < 1.0, 0.5 * d * d, ad - 0.5))


def reference(inputs, targets, lut_ccc, lut_icc):
    # DCC.forward: two GEMMs against the class LUTs
    logits_ccc = (inputs @ lut_ccc.T) * SCALAR
    logits_icc = (inputs @ lut_icc.T) * SCALAR
    loss_ccc = _cross_entropy_ls(logits_ccc, targets, EPS_LS)
    loss_icc = _cross_entropy_ls(logits_icc, targets, EPS_LS)
    # smooth_l1_loss(inputs_ccc, inputs_icc.detach())
    loss_con = _smooth_l1(logits_ccc, jax.lax.stop_gradient(logits_icc))
    loss = loss_ccc + loss_icc + WEIGHT * loss_con
    return loss

if __name__ == "__main__":
    import jax
    _d = setup_inputs()
    print(jax.jit(kernel)(*tuple(_d.values())))

</pallas_src>

<mosaic_0001>
#map = affine_map<(d0, d1) -> (0, 0)>
#map1 = affine_map<(d0, d1) -> (0)>
module attributes {stable_mosaic.version = 14 : i64} {
  func.func @gather2(%arg0: i32, %arg1: i32, %arg2: memref<50000x128xf32, #tpu.memory_space<hbm>>, %arg3: memref<50000x128xf32, #tpu.memory_space<hbm>>, %arg4: memref<1024xi32, #tpu.memory_space<hbm>>, %arg5: memref<1024x128xf32, #tpu.memory_space<hbm>>, %arg6: memref<1024x128xf32, #tpu.memory_space<hbm>>, %arg7: memref<32xi32, #tpu.memory_space<vmem>>, %arg8: memref<32xi32, #tpu.memory_space<vmem>>, %arg9: memref<32x128xf32, #tpu.memory_space<vmem>>, %arg10: memref<32x128xf32, #tpu.memory_space<vmem>>, %arg11: memref<!tpu.dma_semaphore, #tpu.memory_space<semaphore_mem>>) attributes {dimension_semantics = [#tpu.dimension_semantics<core_parallel>, #tpu.dimension_semantics<subcore_parallel>], iteration_bounds = array<i64: 2, 16>, scalar_prefetch = 0 : i64, scratch_operands = 5 : i64, tpu.core_type = #tpu.core_type<sc_vector_subcore>, window_params = [{transform_indices = #map}, {transform_indices = #map}, {transform_indices = #map1}, {transform_indices = #map}, {transform_indices = #map}]} {
    %mul3A = arith.constant 2 : i32
    %mul3A_0 = arith.muli %arg1, %mul3A : i32
    %add3A = arith.addi %mul3A_0, %arg0 : i32
    %mul3A_1 = arith.constant 32 : i32
    %mul3A_2 = arith.muli %add3A, %mul3A_1 : i32
    "tpu.region"() ({
      %run_scoped3A = tpu.sem_alloc : memref<!tpu.dma_semaphore, #tpu.memory_space<semaphore_mem>>
      %dma_start3A_30 = tpu.memref_slice %arg4[%mul3A_2] : memref<1024xi32, #tpu.memory_space<hbm>> -> memref<32xi32, #tpu.memory_space<hbm>>
      %dma_start3A_31 = tpu.memref_slice %arg4[%mul3A_2] : memref<1024xi32, #tpu.memory_space<hbm>> -> memref<32xi32, #tpu.memory_space<hbm>>
      tpu.enqueue_dma source(%dma_start3A_31 : memref<32xi32, #tpu.memory_space<hbm>>) target(%arg7 : memref<32xi32, #tpu.memory_space<vmem>>) target_semaphore(%run_scoped3A : memref<!tpu.dma_semaphore, #tpu.memory_space<semaphore_mem>>)
      %dma_wait3A_32 = tpu.memref_slice %arg4[%mul3A_2] : memref<1024xi32, #tpu.memory_space<hbm>> -> memref<32xi32, #tpu.memory_space<hbm>>
      %dma_wait3A_33 = tpu.memref_slice %arg4[%mul3A_2] : memref<1024xi32, #tpu.memory_space<hbm>> -> memref<32xi32, #tpu.memory_space<hbm>>
      tpu.wait_dma2 semaphore(%run_scoped3A : memref<!tpu.dma_semaphore, #tpu.memory_space<semaphore_mem>>) src(%dma_wait3A_33 : memref<32xi32, #tpu.memory_space<hbm>>) dst(%arg7 : memref<32xi32, #tpu.memory_space<vmem>>)
      tpu.yield
    }) : () -> ()
    %get3A = arith.constant 0 : index
    %get3A_3 = tpu.vector_load %arg7[%get3A] {strides = array<i32>} : memref<32xi32, #tpu.memory_space<vmem>>, vector<16xi32>,
    %get3A_4 = vector.shape_cast %get3A_3 : vector<16xi32> to vector<16xi32>
    %shift_right_logical3A = arith.constant 1 : i32
    %shift_right_logical3A_5 = vector.broadcast %shift_right_logical3A : i32 to vector<16xi32>
    %shift_right_logical3A_6 = arith.shrui %get3A_4, %shift_right_logical3A_5 : vector<16xi32>
    %swap3A = arith.constant 0 : index
    %swap3A_7 = tpu.vector_load %arg8[%swap3A] {strides = array<i32>} : memref<32xi32, #tpu.memory_space<vmem>>, vector<16xi32>,
    %swap3A_8 = vector.shape_cast %swap3A_7 : vector<16xi32> to vector<16xi32>
    %swap3A_9 = vector.shape_cast %shift_right_logical3A_6 : vector<16xi32> to vector<16xi32>
    tpu.vector_store %arg8[%swap3A], %swap3A_9 {strides = array<i32>} : memref<32xi32, #tpu.memory_space<vmem>>, vector<16xi32>,
    %get3A_10 = arith.constant 16 : index
    %get3A_11 = tpu.vector_load %arg7[%get3A_10] {strides = array<i32>} : memref<32xi32, #tpu.memory_space<vmem>>, vector<16xi32>,
    %get3A_12 = vector.shape_cast %get3A_11 : vector<16xi32> to vector<16xi32>
    %shift_right_logical3A_13 = arith.constant 1 : i32
    %shift_right_logical3A_14 = vector.broadcast %shift_right_logical3A_13 : i32 to vector<16xi32>
    %shift_right_logical3A_15 = arith.shrui %get3A_12, %shift_right_logical3A_14 : vector<16xi32>
    %swap3A_16 = arith.constant 16 : index
    %swap3A_17 = tpu.vector_load %arg8[%swap3A_16] {strides = array<i32>} : memref<32xi32, #tpu.memory_space<vmem>>, vector<16xi32>,
    %swap3A_18 = vector.shape_cast %swap3A_17 : vector<16xi32> to vector<16xi32>
    %swap3A_19 = vector.shape_cast %shift_right_logical3A_15 : vector<16xi32> to vector<16xi32>
    tpu.vector_store %arg8[%swap3A_16], %swap3A_19 {strides = array<i32>} : memref<32xi32, #tpu.memory_space<vmem>>, vector<16xi32>,
    %dma_start3A = arith.constant 0 : i32
    %dma_start3A_20 = arith.constant 0 : i32
    %dma_start3A_21 = tpu.memref_slice %arg2[%dma_start3A, %dma_start3A_20] : memref<50000x128xf32, #tpu.memory_space<hbm>> -> memref<50000x128xf32, #tpu.memory_space<hbm>>
    tpu.enqueue_indirect_dma source(%dma_start3A_21 : memref<50000x128xf32, #tpu.memory_space<hbm>>) target(%arg9 : memref<32x128xf32, #tpu.memory_space<vmem>>) offsets(%arg8 : memref<32xi32, #tpu.memory_space<vmem>>) semaphore(%arg11 : memref<!tpu.dma_semaphore, #tpu.memory_space<semaphore_mem>>)
    %dma_wait3A = arith.constant 0 : i32
    %dma_wait3A_22 = arith.constant 0 : i32
    %dma_wait3A_23 = tpu.memref_slice %arg2[%dma_wait3A, %dma_wait3A_22] : memref<50000x128xf32, #tpu.memory_space<hbm>> -> memref<50000x128xf32, #tpu.memory_space<hbm>>
    tpu.wait_indirect_dma semaphore(%arg11 : memref<!tpu.dma_semaphore, #tpu.memory_space<semaphore_mem>>) src(%dma_wait3A_23 : memref<50000x128xf32, #tpu.memory_space<hbm>>) dst(%arg9 : memref<32x128xf32, #tpu.memory_space<vmem>>)
    %dma_start3A_24 = arith.constant 0 : i32
    %dma_start3A_25 = arith.constant 0 : i32
    %dma_start3A_26 = tpu.memref_slice %arg3[%dma_start3A_24, %dma_start3A_25] : memref<50000x128xf32, #tpu.memory_space<hbm>> -> memref<50000x128xf32, #tpu.memory_space<hbm>>
    tpu.enqueue_indirect_dma source(%dma_start3A_26 : memref<50000x128xf32, #tpu.memory_space<hbm>>) target(%arg10 : memref<32x128xf32, #tpu.memory_space<vmem>>) offsets(%arg8 : memref<32xi32, #tpu.memory_space<vmem>>) semaphore(%arg11 : memref<!tpu.dma_semaphore, #tpu.memory_space<semaphore_mem>>)
    %dma_wait3A_27 = arith.constant 0 : i32
    %dma_wait3A_28 = arith.constant 0 : i32
    %dma_wait3A_29 = tpu.memref_slice %arg3[%dma_wait3A_27, %dma_wait3A_28] : memref<50000x128xf32, #tpu.memory_space<hbm>> -> memref<50000x128xf32, #tpu.memory_space<hbm>>
    tpu.wait_indirect_dma semaphore(%arg11 : memref<!tpu.dma_semaphore, #tpu.memory_space<semaphore_mem>>) src(%dma_wait3A_29 : memref<50000x128xf32, #tpu.memory_space<hbm>>) dst(%arg10 : memref<32x128xf32, #tpu.memory_space<vmem>>)
    "tpu.region"() ({
      %run_scoped3A = tpu.sem_alloc : memref<!tpu.dma_semaphore, #tpu.memory_space<semaphore_mem>>
      %dma_start3A_30 = arith.constant 0 : i32
      %dma_start3A_31 = tpu.memref_slice %arg5[%mul3A_2, %dma_start3A_30] : memref<1024x128xf32, #tpu.memory_space<hbm>> -> memref<32x128xf32, #tpu.memory_space<hbm>>
      %dma_start3A_32 = arith.constant 0 : i32
      %dma_start3A_33 = tpu.memref_slice %arg5[%mul3A_2, %dma_start3A_32] : memref<1024x128xf32, #tpu.memory_space<hbm>> -> memref<32x128xf32, #tpu.memory_space<hbm>>
      tpu.enqueue_dma source(%arg9 : memref<32x128xf32, #tpu.memory_space<vmem>>) target(%dma_start3A_33 : memref<32x128xf32, #tpu.memory_space<hbm>>) target_semaphore(%run_scoped3A : memref<!tpu.dma_semaphore, #tpu.memory_space<semaphore_mem>>)
      %dma_wait3A_34 = arith.constant 0 : i32
      %dma_wait3A_35 = tpu.memref_slice %arg5[%mul3A_2, %dma_wait3A_34] : memref<1024x128xf32, #tpu.memory_space<hbm>> -> memref<32x128xf32, #tpu.memory_space<hbm>>
      %dma_wait3A_36 = arith.constant 0 : i32
      %dma_wait3A_37 = tpu.memref_slice %arg5[%mul3A_2, %dma_wait3A_36] : memref<1024x128xf32, #tpu.memory_space<hbm>> -> memref<32x128xf32, #tpu.memory_space<hbm>>
      tpu.wait_dma2 semaphore(%run_scoped3A : memref<!tpu.dma_semaphore, #tpu.memory_space<semaphore_mem>>) src(%arg9 : memref<32x128xf32, #tpu.memory_space<vmem>>) dst(%dma_wait3A_37 : memref<32x128xf32, #tpu.memory_space<hbm>>)
      tpu.yield
    }) : () -> ()
    "tpu.region"() ({
      %run_scoped3A = tpu.sem_alloc : memref<!tpu.dma_semaphore, #tpu.memory_space<semaphore_mem>>
      %dma_start3A_30 = arith.constant 0 : i32
      %dma_start3A_31 = tpu.memref_slice %arg6[%mul3A_2, %dma_start3A_30] : memref<1024x128xf32, #tpu.memory_space<hbm>> -> memref<32x128xf32, #tpu.memory_space<hbm>>
      %dma_start3A_32 = arith.constant 0 : i32
      %dma_start3A_33 = tpu.memref_slice %arg6[%mul3A_2, %dma_start3A_32] : memref<1024x128xf32, #tpu.memory_space<hbm>> -> memref<32x128xf32, #tpu.memory_space<hbm>>
      tpu.enqueue_dma source(%arg10 : memref<32x128xf32, #tpu.memory_space<vmem>>) target(%dma_start3A_33 : memref<32x128xf32, #tpu.memory_space<hbm>>) target_semaphore(%run_scoped3A : memref<!tpu.dma_semaphore, #tpu.memory_space<semaphore_mem>>)
      %dma_wait3A_34 = arith.constant 0 : i32
      %dma_wait3A_35 = tpu.memref_slice %arg6[%mul3A_2, %dma_wait3A_34] : memref<1024x128xf32, #tpu.memory_space<hbm>> -> memref<32x128xf32, #tpu.memory_space<hbm>>
      %dma_wait3A_36 = arith.constant 0 : i32
      %dma_wait3A_37 = tpu.memref_slice %arg6[%mul3A_2, %dma_wait3A_36] : memref<1024x128xf32, #tpu.memory_space<hbm>> -> memref<32x128xf32, #tpu.memory_space<hbm>>
      tpu.wait_dma2 semaphore(%run_scoped3A : memref<!tpu.dma_semaphore, #tpu.memory_space<semaphore_mem>>) src(%arg10 : memref<32x128xf32, #tpu.memory_space<vmem>>) dst(%dma_wait3A_37 : memref<32x128xf32, #tpu.memory_space<hbm>>)
      tpu.yield
    }) : () -> ()
    return
  }
}

module attributes {stable_mosaic.version = 14 : i64} {
  func.func @_fused_body(%arg0: i32, %arg1: memref<1024x64xf32, #tpu.memory_space<vmem>>, %arg2: memref<4000x64xf32, #tpu.memory_space<vmem>>, %arg3: memref<4000x64xf32, #tpu.memory_space<vmem>>, %arg4: memref<1024x128xf32, #tpu.memory_space<vmem>>, %arg5: memref<1024x128xf32, #tpu.memory_space<vmem>>, %arg6: memref<1024x1xi32, #tpu.memory_space<vmem>>, %arg7: memref<1x1xf32, #tpu.memory_space<vmem>>, %arg8: memref<1024x1xf32, #tpu.memory_space<vmem>>, %arg9: memref<1024x1xf32, #tpu.memory_space<vmem>>, %arg10: memref<1024x1xf32, #tpu.memory_space<vmem>>, %arg11: memref<1024x1xf32, #tpu.memory_space<vmem>>, %arg12: memref<1x64xf32, #tpu.memory_space<vmem>>, %arg13: memref<1x64xf32, #tpu.memory_space<vmem>>, %arg14: memref<1x1xf32, #tpu.memory_space<vmem>>) attributes {dimension_semantics = [#tpu.dimension_semantics<arbitrary>], iteration_bounds = array<i64: 25>, scalar_prefetch = 0 : i64, scratch_operands = 7 : i64, tpu.core_type = #tpu.core_type<tc>, window_params = [{pipeline_mode = #tpu.pipeline_mode<synchronous>, transform_indices = @transform_0, window_bounds = array<i64: 1024, 64>}, {transform_indices = @transform_1, window_bounds = array<i64: 4000, 64>}, {transform_indices = @transform_2, window_bounds = array<i64: 4000, 64>}, {pipeline_mode = #tpu.pipeline_mode<synchronous>, transform_indices = @transform_3, window_bounds = array<i64: 1024, 128>}, {pipeline_mode = #tpu.pipeline_mode<synchronous>, transform_indices = @transform_4, window_bounds = array<i64: 1024, 128>}, {pipeline_mode = #tpu.pipeline_mode<synchronous>, transform_indices = @transform_5, window_bounds = array<i64: 1024, 1>}, {pipeline_mode = #tpu.pipeline_mode<synchronous>, transform_indices = @transform_6, window_bounds = array<i64: 1, 1>}]} {
    %eq3A = arith.constant 0 : i32
    %eq3A_0 = arith.cmpi eq, %arg0, %eq3A : i32
    %convert_element_type3A = arith.extui %eq3A_0 : i1 to i32
    %cond3A = arith.constant 0 : i32
    %cond3A_1 = arith.cmpi ne, %convert_element_type3A, %cond3A : i32
    scf.if %cond3A_1 {
      %broadcast_in_dim3A_925 = arith.constant -1.000000e+30 : f32
      %broadcast_in_dim3A_926 = vector.broadcast %broadcast_in_dim3A_925 : f32 to vector<1024x1xf32>
      %swap3A_927 = arith.constant 0 : index
      %swap3A_928 = arith.constant 0 : index
      %swap3A_929 = vector.load %arg8[%swap3A_927, %swap3A_928] : memref<1024x1xf32, #tpu.memory_space<vmem>>, vector<1024x1xf32>
      tpu.vector_store %arg8[%swap3A_927, %swap3A_928], %broadcast_in_dim3A_926 {strides = array<i32>} : memref<1024x1xf32, #tpu.memory_space<vmem>>, vector<1024x1xf32>,
      %broadcast_in_dim3A_930 = arith.constant -1.000000e+30 : f32
      %broadcast_in_dim3A_931 = vector.broadcast %broadcast_in_dim3A_930 : f32 to vector<1024x1xf32>
      %swap3A_932 = arith.constant 0 : index
      %swap3A_933 = arith.constant 0 : index
      %swap3A_934 = vector.load %arg10[%swap3A_932, %swap3A_933] : memref<1024x1xf32, #tpu.memory_space<vmem>>, vector<1024x1xf32>
      tpu.vector_store %arg10[%swap3A_932, %swap3A_933], %broadcast_in_dim3A_931 {strides = array<i32>} : memref<1024x1xf32, #tpu.memory_space<vmem>>, vector<1024x1xf32>,
      %broadcast_in_dim3A_935 = arith.constant 0.000000e+00 : f32
      %broadcast_in_dim3A_936 = vector.broadcast %broadcast_in_dim3A_935 : f32 to vector<1024x1xf32>
      %swap3A_937 = arith.constant 0 : index
      %swap3A_938 = arith.constant 0 : index
      %swap3A_939 = vector.load %arg9[%swap3A_937, %swap3A_938] : memref<1024x1xf32, #tpu.memory_space<vmem>>, vector<1024x1xf32>
      tpu.vector_store %arg9[%swap3A_937, %swap3A_938], %broadcast_in_dim3A_936 {strides = array<i32>} : memref<1024x1xf32, #tpu.memory_space<vmem>>, vector<1024x1xf32>,
      %broadcast_in_dim3A_940 = arith.constant 0.000000e+00 : f32
      %broadcast_in_dim3A_941 = vector.broadcast %broadcast_in_dim3A_940 : f32 to vector<1024x1xf32>
      %swap3A_942 = arith.constant 0 : index
      %swap3A_943 = arith.constant 0 : index
      %swap3A_944 = vector.load %arg11[%swap3A_942, %swap3A_943] : memref<1024x1xf32, #tpu.memory_space<vmem>>, vector<1024x1xf32>
      tpu.vector_store %arg11[%swap3A_942, %swap3A_943], %broadcast_in_dim3A_941 {strides = array<i32>} : memref<1024x1xf32, #tpu.memory_space<vmem>>, vector<1024x1xf32>,
      %broadcast_in_dim3A_945 = arith.constant 0.000000e+00 : f32
      %broadcast_in_dim3A_946 = vector.broadcast %broadcast_in_dim3A_945 : f32 to vector<1x64xf32>
      %swap3A_947 = arith.constant 0 : index
      %swap3A_948 = arith.constant 0 : index
      %swap3A_949 = vector.load %arg12[%swap3A_947, %swap3A_948] : memref<1x64xf32, #tpu.memory_space<vmem>>, vector<1x64xf32>
      tpu.vector_store %arg12[%swap3A_947, %swap3A_948], %broadcast_in_dim3A_946 {strides = array<i32>} : memref<1x64xf32, #tpu.memory_space<vmem>>, vector<1x64xf32>,
      %broadcast_in_dim3A_950 = arith.constant 0.000000e+00 : f32
      %broadcast_in_dim3A_951 = vector.broadcast %broadcast_in_dim3A_950 : f32 to vector<1x64xf32>
      %swap3A_952 = arith.constant 0 : index
      %swap3A_953 = arith.constant 0 : index
      %swap3A_954 = vector.load %arg13[%swap3A_952, %swap3A_953] : memref<1x64xf32, #tpu.memory_space<vmem>>, vector<1x64xf32>
      tpu.vector_store %arg13[%swap3A_952, %swap3A_953], %broadcast_in_dim3A_951 {strides = array<i32>} : memref<1x64xf32, #tpu.memory_space<vmem>>, vector<1x64xf32>,
      %broadcast_in_dim3A_955 = arith.constant 0.000000e+00 : f32
      %broadcast_in_dim3A_956 = vector.broadcast %broadcast_in_dim3A_955 : f32 to vector<1x1xf32>
      %swap3A_957 = arith.constant 0 : index
      %swap3A_958 = arith.constant 0 : index
      %swap3A_959 = vector.load %arg14[%swap3A_957, %swap3A_958] : memref<1x1xf32, #tpu.memory_space<vmem>>, vector<1x1xf32>
      tpu.vector_store %arg14[%swap3A_957, %swap3A_958], %broadcast_in_dim3A_956 {strides = array<i32>} : memref<1x1xf32, #tpu.memory_space<vmem>>, vector<1x1xf32>,
    } else {
    }
    %get3A = arith.constant 0 : index
    %get3A_2 = arith.constant 0 : index
    %get3A_3 = vector.load %arg1[%get3A, %get3A_2] : memref<1024x64xf32, #tpu.memory_space<vmem>>, vector<1024x64xf32>
    %convert_element_type3A_4 = arith.truncf %get3A_3 : vector<1024x64xf32> to vector<1024x64xbf16>
    %get3A_5 = arith.constant 0 : index
    %get3A_6 = arith.constant 0 : index
    %get3A_7 = vector.load %arg2[%get3A_5, %get3A_6] : memref<4000x64xf32, #tpu.memory_space<vmem>>, vector<500x64xf32>
    %get3A_8 = arith.constant 0 : index
    %get3A_9 = arith.constant 0 : index
    %get3A_10 = vector.load %arg3[%get3A_8, %get3A_9] : memref<4000x64xf32, #tpu.memory_space<vmem>>, vector<500x64xf32>
    %convert_element_type3A_11 = arith.truncf %get3A_7 : vector<500x64xf32> to vector<500x64xbf16>
    %dot_general3A = arith.constant dense<0.000000e+00> : vector<1024x500xf32>
    %dot_general3A_12 = tpu.matmul %convert_element_type3A_4, %convert_element_type3A_11, %dot_general3A {dimension_numbers = #tpu.dot_dimension_numbers<[1], [1], [0], [0], [0, 0, 1, 0], [], []>, transpose_lhs_hint = false} : vector<1024x64xbf16>, vector<500x64xbf16>, vector<1024x500xf32> -> vector<1024x500xf32>
    %mul3A = arith.constant 2.000000e+01 : f32
    %mul3A_13 = vector.broadcast %mul3A : f32 to vector<1024x500xf32>
    %mul3A_14 = arith.mulf %dot_general3A_12, %mul3A_13 : vector<1024x500xf32>
    %convert_element_type3A_15 = arith.truncf %get3A_10 : vector<500x64xf32> to vector<500x64xbf16>
    %dot_general3A_16 = arith.constant dense<0.000000e+00> : vector<1024x500xf32>
    %dot_general3A_17 = tpu.matmul %convert_element_type3A_4, %convert_element_type3A_15, %dot_general3A_16 {dimension_numbers = #tpu.dot_dimension_numbers<[1], [1], [0], [0], [0, 0, 1, 0], [], []>, transpose_lhs_hint = false} : vector<1024x64xbf16>, vector<500x64xbf16>, vector<1024x500xf32> -> vector<1024x500xf32>
    %mul3A_18 = arith.constant 2.000000e+01 : f32
    %mul3A_19 = vector.broadcast %mul3A_18 : f32 to vector<1024x500xf32>
    %mul3A_20 = arith.mulf %dot_general3A_17, %mul3A_19 : vector<1024x500xf32>
    %get3A_21 = arith.constant 0 : index
    %get3A_22 = arith.constant 0 : index
    %get3A_23 = vector.load %arg8[%get3A_21, %get3A_22] : memref<1024x1xf32, #tpu.memory_space<vmem>>, vector<1024x1xf32>
    %reduce_max3A = arith.constant dense<0xFF800000> : vector<1024xf32>
    %reduce_max3A_24 = vector.multi_reduction <maximumf>, %mul3A_14, %reduce_max3A [1] : vector<1024x500xf32> to vector<1024xf32>
    %broadcast_in_dim3A = vector.shape_cast %reduce_max3A_24 : vector<1024xf32> to vector<1024x1xf32>
    %max3A = arith.maximumf %get3A_23, %broadcast_in_dim3A : vector<1024x1xf32>
    %get3A_25 = arith.constant 0 : index
    %get3A_26 = arith.constant 0 : index
    %get3A_27 = vector.load %arg9[%get3A_25, %get3A_26] : memref<1024x1xf32, #tpu.memory_space<vmem>>, vector<1024x1xf32>
    %sub3A = arith.subf %get3A_23, %max3A : vector<1024x1xf32>
    %exp3A = math.exp %sub3A : vector<1024x1xf32>
    %mul3A_28 = arith.mulf %get3A_27, %exp3A : vector<1024x1xf32>
    %sub3A_29 = vector.broadcast %max3A : vector<1024x1xf32> to vector<1024x500xf32>
    %sub3A_30 = arith.subf %mul3A_14, %sub3A_29 : vector<1024x500xf32>
    %exp3A_31 = math.exp %sub3A_30 : vector<1024x500xf32>
    %reduce_sum3A = arith.constant dense<0.000000e+00> : vector<1024xf32>
    %reduce_sum3A_32 = vector.multi_reduction <add>, %exp3A_31, %reduce_sum3A [1] : vector<1024x500xf32> to vector<1024xf32>
    %broadcast_in_dim3A_33 = vector.shape_cast %reduce_sum3A_32 : vector<1024xf32> to vector<1024x1xf32>
    %add3A = arith.addf %mul3A_28, %broadcast_in_dim3A_33 : vector<1024x1xf32>
    %swap3A = arith.constant 0 : index
    %swap3A_34 = arith.constant 0 : index
    %swap3A_35 = vector.load %arg9[%swap3A, %swap3A_34] : memref<1024x1xf32, #tpu.memory_space<vmem>>, vector<1024x1xf32>
    tpu.vector_store %arg9[%swap3A, %swap3A_34], %add3A {strides = array<i32>} : memref<1024x1xf32, #tpu.memory_space<vmem>>, vector<1024x1xf32>,
    %swap3A_36 = arith.constant 0 : index
    %swap3A_37 = arith.constant 0 : index
    %swap3A_38 = vector.load %arg8[%swap3A_36, %swap3A_37] : memref<1024x1xf32, #tpu.memory_space<vmem>>, vector<1024x1xf32>
    tpu.vector_store %arg8[%swap3A_36, %swap3A_37], %max3A {strides = array<i32>} : memref<1024x1xf32, #tpu.memory_space<vmem>>, vector<1024x1xf32>,
    %get3A_39 = arith.constant 0 : index
    %get3A_40 = arith.constant 0 : index
    %get3A_41 = vector.load %arg10[%get3A_39, %get3A_40] : memref<1024x1xf32, #tpu.memory_space<vmem>>, vector<1024x1xf32>
    %reduce_max3A_42 = arith.constant dense<0xFF800000> : vector<1024xf32>
    %reduce_max3A_43 = vector.multi_reduction <maximumf>, %mul3A_20, %reduce_max3A_42 [1] : vector<1024x500xf32> to vector<1024xf32>
    %broadcast_in_dim3A_44 = vector.shape_cast %reduce_max3A_43 : vector<1024xf32> to vector<1024x1xf32>
    %max3A_45 = arith.maximumf %get3A_41, %broadcast_in_dim3A_44 : vector<1024x1xf32>
    %get3A_46 = arith.constant 0 : index
    %get3A_47 = arith.constant 0 : index
    %get3A_48 = vector.load %arg11[%get3A_46, %get3A_47] : memref<1024x1xf32, #tpu.memory_space<vmem>>, vector<1024x1xf32>
    %sub3A_49 = arith.subf %get3A_41, %max3A_45 : vector<1024x1xf32>
    %exp3A_50 = math.exp %sub3A_49 : vector<1024x1xf32>
    %mul3A_51 = arith.mulf %get3A_48, %exp3A_50 : vector<1024x1xf32>
    %sub3A_52 = vector.broadcast %max3A_45 : vector<1024x1xf32> to vector<1024x500xf32>
    %sub3A_53 = arith.subf %mul3A_20, %sub3A_52 : vector<1024x500xf32>
    %exp3A_54 = math.exp %sub3A_53 : vector<1024x500xf32>
    %reduce_sum3A_55 = arith.constant dense<0.000000e+00> : vector<1024xf32>
    %reduce_sum3A_56 = vector.multi_reduction <add>, %exp3A_54, %reduce_sum3A_55 [1] : vector<1024x500xf32> to vector<1024xf32>
    %broadcast_in_dim3A_57 = vector.shape_cast %reduce_sum3A_56 : vector<1024xf32> to vector<1024x1xf32>
    %add3A_58 = arith.addf %mul3A_51, %broadcast_in_dim3A_57 : vector<1024x1xf32>
    %swap3A_59 = arith.constant 0 : index
    %swap3A_60 = arith.constant 0 : index
    %swap3A_61 = vector.load %arg11[%swap3A_59, %swap3A_60] : memref<1024x1xf32, #tpu.memory_space<vmem>>, vector<1024x1xf32>
    tpu.vector_store %arg11[%swap3A_59, %swap3A_60], %add3A_58 {strides = array<i32>} : memref<1024x1xf32, #tpu.memory_space<vmem>>, vector<1024x1xf32>,
    %swap3A_62 = arith.constant 0 : index
    %swap3A_63 = arith.constant 0 : index
    %swap3A_64 = vector.load %arg10[%swap3A_62, %swap3A_63] : memref<1024x1xf32, #tpu.memory_space<vmem>>, vector<1024x1xf32>
    tpu.vector_store %arg10[%swap3A_62, %swap3A_63], %max3A_45 {strides = array<i32>} : memref<1024x1xf32, #tpu.memory_space<vmem>>, vector<1024x1xf32>,
    %sub3A_65 = arith.subf %mul3A_14, %mul3A_20 : vector<1024x500xf32>
    %abs3A = math.absf %sub3A_65 : vector<1024x500xf32>
    %lt3A = arith.constant 1.000000e+00 : f32
    %lt3A_66 = vector.broadcast %lt3A : f32 to vector<1024x500xf32>
    %lt3A_67 = arith.cmpf olt, %abs3A, %lt3A_66 : vector<1024x500xf32>
    %mul3A_68 = arith.constant 5.000000e-01 : f32
    %mul3A_69 = vector.broadcast %mul3A_68 : f32 to vector<1024x500xf32>
    %mul3A_70 = arith.mulf %mul3A_69, %sub3A_65 : vector<1024x500xf32>
    %mul3A_71 = arith.mulf %mul3A_70, %sub3A_65 : vector<1024x500xf32>
    %sub3A_72 = arith.constant 5.000000e-01 : f32
    %sub3A_73 = vector.broadcast %sub3A_72 : f32 to vector<1024x500xf32>
    %sub3A_74 = arith.subf %abs3A, %sub3A_73 : vector<1024x500xf32>
    %select_n3A = arith.select %lt3A_67, %mul3A_71, %sub3A_74 : vector<1024x500xi1>, vector<1024x500xf32>
    %get3A_75 = arith.constant 0 : index
    %get3A_76 = arith.constant 0 : index
    %get3A_77 = vector.load %arg14[%get3A_75, %get3A_76] : memref<1x1xf32, #tpu.memory_space<vmem>>, vector<1x1xf32>
    %reduce_sum3A_78 = vector.shape_cast %select_n3A : vector<1024x500xf32> to vector<1x1024x500xf32>
    %reduce_sum3A_79 = arith.constant dense<0.000000e+00> : vector<1xf32>
    %reduce_sum3A_80 = vector.multi_reduction <add>, %reduce_sum3A_78, %reduce_sum3A_79 [1, 2] : vector<1x1024x500xf32> to vector<1xf32>
    %reduce_sum3A_81 = vector.shape_cast %reduce_sum3A_80 : vector<1xf32> to vector<1x1x1xf32>
    %reduce_sum3A_82 = vector.extract %reduce_sum3A_81[0, 0, 0] : f32 from vector<1x1x1xf32>
    %broadcast_in_dim3A_83 = vector.broadcast %reduce_sum3A_82 : f32 to vector<1x1xf32>
    %add3A_84 = arith.addf %get3A_77, %broadcast_in_dim3A_83 : vector<1x1xf32>
    %swap3A_85 = arith.constant 0 : index
    %swap3A_86 = arith.constant 0 : index
    %swap3A_87 = vector.load %arg14[%swap3A_85, %swap3A_86] : memref<1x1xf32, #tpu.memory_space<vmem>>, vector<1x1xf32>
    tpu.vector_store %arg14[%swap3A_85, %swap3A_86], %add3A_84 {strides = array<i32>} : memref<1x1xf32, #tpu.memory_space<vmem>>, vector<1x1xf32>,
    %get3A_88 = arith.constant 0 : index
    %get3A_89 = arith.constant 0 : index
    %get3A_90 = vector.load %arg12[%get3A_88, %get3A_89] : memref<1x64xf32, #tpu.memory_space<vmem>>, vector<1x64xf32>
    %reduce_sum3A_91 = arith.constant dense<0.000000e+00> : vector<64xf32>
    %reduce_sum3A_92 = vector.multi_reduction <add>, %get3A_7, %reduce_sum3A_91 [0] : vector<500x64xf32> to vector<64xf32>
    %broadcast_in_dim3A_93 = vector.shape_cast %reduce_sum3A_92 : vector<64xf32> to vector<1x64xf32>
    %add3A_94 = arith.addf %get3A_90, %broadcast_in_dim3A_93 : vector<1x64xf32>
    %swap3A_95 = arith.constant 0 : index
    %swap3A_96 = arith.constant 0 : index
    %swap3A_97 = vector.load %arg12[%swap3A_95, %swap3A_96] : memref<1x64xf32, #tpu.memory_space<vmem>>, vector<1x64xf32>
    tpu.vector_store %arg12[%swap3A_95, %swap3A_96], %add3A_94 {strides = array<i32>} : memref<1x64xf32, #tpu.memory_space<vmem>>, vector<1x64xf32>,
    %get3A_98 = arith.constant 0 : index
    %get3A_99 = arith.constant 0 : index
    %get3A_100 = vector.load %arg13[%get3A_98, %get3A_99] : memref<1x64xf32, #tpu.memory_space<vmem>>, vector<1x64xf32>
    %reduce_sum3A_101 = arith.constant dense<0.000000e+00> : vector<64xf32>
    %reduce_sum3A_102 = vector.multi_reduction <add>, %get3A_10, %reduce_sum3A_101 [0] : vector<500x64xf32> to vector<64xf32>
    %broadcast_in_dim3A_103 = vector.shape_cast %reduce_sum3A_102 : vector<64xf32> to vector<1x64xf32>
    %add3A_104 = arith.addf %get3A_100, %broadcast_in_dim3A_103 : vector<1x64xf32>
    %swap3A_105 = arith.constant 0 : index
    %swap3A_106 = arith.constant 0 : index
    %swap3A_107 = vector.load %arg13[%swap3A_105, %swap3A_106] : memref<1x64xf32, #tpu.memory_space<vmem>>, vector<1x64xf32>
    tpu.vector_store %arg13[%swap3A_105, %swap3A_106], %add3A_104 {strides = array<i32>} : memref<1x64xf32, #tpu.memory_space<vmem>>, vector<1x64xf32>,
    %get3A_108 = arith.constant 500 : index
    %get3A_109 = arith.constant 0 : index
    %get3A_110 = vector.load %arg2[%get3A_108, %get3A_109] : memref<4000x64xf32, #tpu.memory_space<vmem>>, vector<500x64xf32>
    %get3A_111 = arith.constant 500 : index
    %get3A_112 = arith.constant 0 : index
    %get3A_113 = vector.load %arg3[%get3A_111, %get3A_112] : memref<4000x64xf32, #tpu.memory_space<vmem>>, vector<500x64xf32>
    %convert_element_type3A_114 = arith.truncf %get3A_110 : vector<500x64xf32> to vector<500x64xbf16>
    %dot_general3A_115 = arith.constant dense<0.000000e+00> : vector<1024x500xf32>
    %dot_general3A_116 = tpu.matmul %convert_element_type3A_4, %convert_element_type3A_114, %dot_general3A_115 {dimension_numbers = #tpu.dot_dimension_numbers<[1], [1], [0], [0], [0, 0, 1, 0], [], []>, transpose_lhs_hint = false} : vector<1024x64xbf16>, vector<500x64xbf16>, vector<1024x500xf32> -> vector<1024x500xf32>
    %mul3A_117 = arith.constant 2.000000e+01 : f32
    %mul3A_118 = vector.broadcast %mul3A_117 : f32 to vector<1024x500xf32>
    %mul3A_119 = arith.mulf %dot_general3A_116, %mul3A_118 : vector<1024x500xf32>
    %convert_element_type3A_120 = arith.truncf %get3A_113 : vector<500x64xf32> to vector<500x64xbf16>
    %dot_general3A_121 = arith.constant dense<0.000000e+00> : vector<1024x500xf32>
    %dot_general3A_122 = tpu.matmul %convert_element_type3A_4, %convert_element_type3A_120, %dot_general3A_121 {dimension_numbers = #tpu.dot_dimension_numbers<[1], [1], [0], [0], [0, 0, 1, 0], [], []>, transpose_lhs_hint = false} : vector<1024x64xbf16>, vector<500x64xbf16>, vector<1024x500xf32> -> vector<1024x500xf32>
    %mul3A_123 = arith.constant 2.000000e+01 : f32
    %mul3A_124 = vector.broadcast %mul3A_123 : f32 to vector<1024x500xf32>
    %mul3A_125 = arith.mulf %dot_general3A_122, %mul3A_124 : vector<1024x500xf32>
    %get3A_126 = arith.constant 0 : index
    %get3A_127 = arith.constant 0 : index
    %get3A_128 = vector.load %arg8[%get3A_126, %get3A_127] : memref<1024x1xf32, #tpu.memory_space<vmem>>, vector<1024x1xf32>
    %reduce_max3A_129 = arith.constant dense<0xFF800000> : vector<1024xf32>
    %reduce_max3A_130 = vector.multi_reduction <maximumf>, %mul3A_119, %reduce_max3A_129 [1] : vector<1024x500xf32> to vector<1024xf32>
    %broadcast_in_dim3A_131 = vector.shape_cast %reduce_max3A_130 : vector<1024xf32> to vector<1024x1xf32>
    %max3A_132 = arith.maximumf %get3A_128, %broadcast_in_dim3A_131 : vector<1024x1xf32>
    %get3A_133 = arith.constant 0 : index
    %get3A_134 = arith.constant 0 : index
    %get3A_135 = vector.load %arg9[%get3A_133, %get3A_134] : memref<1024x1xf32, #tpu.memory_space<vmem>>, vector<1024x1xf32>
    %sub3A_136 = arith.subf %get3A_128, %max3A_132 : vector<1024x1xf32>
    %exp3A_137 = math.exp %sub3A_136 : vector<1024x1xf32>
    %mul3A_138 = arith.mulf %get3A_135, %exp3A_137 : vector<1024x1xf32>
    %sub3A_139 = vector.broadcast %max3A_132 : vector<1024x1xf32> to vector<1024x500xf32>
    %sub3A_140 = arith.subf %mul3A_119, %sub3A_139 : vector<1024x500xf32>
    %exp3A_141 = math.exp %sub3A_140 : vector<1024x500xf32>
    %reduce_sum3A_142 = arith.constant dense<0.000000e+00> : vector<1024xf32>
    %reduce_sum3A_143 = vector.multi_reduction <add>, %exp3A_141, %reduce_sum3A_142 [1] : vector<1024x500xf32> to vector<1024xf32>
    %broadcast_in_dim3A_144 = vector.shape_cast %reduce_sum3A_143 : vector<1024xf32> to vector<1024x1xf32>
    %add3A_145 = arith.addf %mul3A_138, %broadcast_in_dim3A_144 : vector<1024x1xf32>
    %swap3A_146 = arith.constant 0 : index
    %swap3A_147 = arith.constant 0 : index
    %swap3A_148 = vector.load %arg9[%swap3A_146, %swap3A_147] : memref<1024x1xf32, #tpu.memory_space<vmem>>, vector<1024x1xf32>
    tpu.vector_store %arg9[%swap3A_146, %swap3A_147], %add3A_145 {strides = array<i32>} : memref<1024x1xf32, #tpu.memory_space<vmem>>, vector<1024x1xf32>,
    %swap3A_149 = arith.constant 0 : index
    %swap3A_150 = arith.constant 0 : index
    %swap3A_151 = vector.load %arg8[%swap3A_149, %swap3A_150] : memref<1024x1xf32, #tpu.memory_space<vmem>>, vector<1024x1xf32>
    tpu.vector_store %arg8[%swap3A_149, %swap3A_150], %max3A_132 {strides = array<i32>} : memref<1024x1xf32, #tpu.memory_space<vmem>>, vector<1024x1xf32>,
    %get3A_152 = arith.constant 0 : index
    %get3A_153 = arith.constant 0 : index
    %get3A_154 = vector.load %arg10[%get3A_152, %get3A_153] : memref<1024x1xf32, #tpu.memory_space<vmem>>, vector<1024x1xf32>
    %reduce_max3A_155 = arith.constant dense<0xFF800000> : vector<1024xf32>
    %reduce_max3A_156 = vector.multi_reduction <maximumf>, %mul3A_125, %reduce_max3A_155 [1] : vector<1024x500xf32> to vector<1024xf32>
    %broadcast_in_dim3A_157 = vector.shape_cast %reduce_max3A_156 : vector<1024xf32> to vector<1024x1xf32>
    %max3A_158 = arith.maximumf %get3A_154, %broadcast_in_dim3A_157 : vector<1024x1xf32>
    %get3A_159 = arith.constant 0 : index
    %get3A_160 = arith.constant 0 : index
    %get3A_161 = vector.load %arg11[%get3A_159, %get3A_160] : memref<1024x1xf32, #tpu.memory_space<vmem>>, vector<1024x1xf32>
    %sub3A_162 = arith.subf %get3A_154, %max3A_158 : vector<1024x1xf32>
    %exp3A_163 = math.exp %sub3A_162 : vector<1024x1xf32>
    %mul3A_164 = arith.mulf %get3A_161, %exp3A_163 : vector<1024x1xf32>
    %sub3A_165 = vector.broadcast %max3A_158 : vector<1024x1xf32> to vector<1024x500xf32>
    %sub3A_166 = arith.subf %mul3A_125, %sub3A_165 : vector<1024x500xf32>
    %exp3A_167 = math.exp %sub3A_166 : vector<1024x500xf32>
    %reduce_sum3A_168 = arith.constant dense<0.000000e+00> : vector<1024xf32>
    %reduce_sum3A_169 = vector.multi_reduction <add>, %exp3A_167, %reduce_sum3A_168 [1] : vector<1024x500xf32> to vector<1024xf32>
    %broadcast_in_dim3A_170 = vector.shape_cast %reduce_sum3A_169 : vector<1024xf32> to vector<1024x1xf32>
    %add3A_171 = arith.addf %mul3A_164, %broadcast_in_dim3A_170 : vector<1024x1xf32>
    %swap3A_172 = arith.constant 0 : index
    %swap3A_173 = arith.constant 0 : index
    %swap3A_174 = vector.load %arg11[%swap3A_172, %swap3A_173] : memref<1024x1xf32, #tpu.memory_space<vmem>>, vector<1024x1xf32>
    tpu.vector_store %arg11[%swap3A_172, %swap3A_173], %add3A_171 {strides = array<i32>} : memref<1024x1xf32, #tpu.memory_space<vmem>>, vector<1024x1xf32>,
    %swap3A_175 = arith.constant 0 : index
    %swap3A_176 = arith.constant 0 : index
    %swap3A_177 = vector.load %arg10[%swap3A_175, %swap3A_176] : memref<1024x1xf32, #tpu.memory_space<vmem>>, vector<1024x1xf32>
    tpu.vector_store %arg10[%swap3A_175, %swap3A_176], %max3A_158 {strides = array<i32>} : memref<1024x1xf32, #tpu.memory_space<vmem>>, vector<1024x1xf32>,
    %sub3A_178 = arith.subf %mul3A_119, %mul3A_125 : vector<1024x500xf32>
    %abs3A_179 = math.absf %sub3A_178 : vector<1024x500xf32>
    %lt3A_180 = arith.constant 1.000000e+00 : f32
    %lt3A_181 = vector.broadcast %lt3A_180 : f32 to vector<1024x500xf32>
    %lt3A_182 = arith.cmpf olt, %abs3A_179, %lt3A_181 : vector<1024x500xf32>
    %mul3A_183 = arith.constant 5.000000e-01 : f32
    %mul3A_184 = vector.broadcast %mul3A_183 : f32 to vector<1024x500xf32>
    %mul3A_185 = arith.mulf %mul3A_184, %sub3A_178 : vector<1024x500xf32>
    %mul3A_186 = arith.mulf %mul3A_185, %sub3A_178 : vector<1024x500xf32>
    %sub3A_187 = arith.constant 5.000000e-01 : f32
    %sub3A_188 = vector.broadcast %sub3A_187 : f32 to vector<1024x500xf32>
    %sub3A_189 = arith.subf %abs3A_179, %sub3A_188 : vector<1024x500xf32>
    %select_n3A_190 = arith.select %lt3A_182, %mul3A_186, %sub3A_189 : vector<1024x500xi1>, vector<1024x500xf32>
    %get3A_191 = arith.constant 0 : index
    %get3A_192 = arith.constant 0 : index
    %get3A_193 = vector.load %arg14[%get3A_191, %get3A_192] : memref<1x1xf32, #tpu.memory_space<vmem>>, vector<1x1xf32>
    %reduce_sum3A_194 = vector.shape_cast %select_n3A_190 : vector<1024x500xf32> to vector<1x1024x500xf32>
    %reduce_sum3A_195 = arith.constant dense<0.000000e+00> : vector<1xf32>
    %reduce_sum3A_196 = vector.multi_reduction <add>, %reduce_sum3A_194, %reduce_sum3A_195 [1, 2] : vector<1x1024x500xf32> to vector<1xf32>
    %reduce_sum3A_197 = vector.shape_cast %reduce_sum3A_196 : vector<1xf32> to vector<1x1x1xf32>
    %reduce_sum3A_198 = vector.extract %reduce_sum3A_197[0, 0, 0] : f32 from vector<1x1x1xf32>
    %broadcast_in_dim3A_199 = vector.broadcast %reduce_sum3A_198 : f32 to vector<1x1xf32>
    %add3A_200 = arith.addf %get3A_193, %broadcast_in_dim3A_199 : vector<1x1xf32>
    %swap3A_201 = arith.constant 0 : index
    %swap3A_202 = arith.constant 0 : index
    %swap3A_203 = vector.load %arg14[%swap3A_201, %swap3A_202] : memref<1x1xf32, #tpu.memory_space<vmem>>, vector<1x1xf32>
    tpu.vector_store %arg14[%swap3A_201, %swap3A_202], %add3A_200 {strides = array<i32>} : memref<1x1xf32, #tpu.memory_space<vmem>>, vector<1x1xf32>,
    %get3A_204 = arith.constant 0 : index
    %get3A_205 = arith.constant 0 : index
    %get3A_206 = vector.load %arg12[%get3A_204, %get3A_205] : memref<1x64xf32, #tpu.memory_space<vmem>>, vector<1x64xf32>
    %reduce_sum3A_207 = arith.constant dense<0.000000e+00> : vector<64xf32>
    %reduce_sum3A_208 = vector.multi_reduction <add>, %get3A_110, %reduce_sum3A_207 [0] : vector<500x64xf32> to vector<64xf32>
    %broadcast_in_dim3A_209 = vector.shape_cast %reduce_sum3A_208 : vector<64xf32> to vector<1x64xf32>
    %add3A_210 = arith.addf %get3A_206, %broadcast_in_dim3A_209 : vector<1x64xf32>
    %swap3A_211 = arith.constant 0 : index
    %swap3A_212 = arith.constant 0 : index
    %swap3A_213 = vector.load %arg12[%swap3A_211, %swap3A_212] : memref<1x64xf32, #tpu.memory_space<vmem>>, vector<1x64xf32>
    tpu.vector_store %arg12[%swap3A_211, %swap3A_212], %add3A_210 {strides = array<i32>} : memref<1x64xf32, #tpu.memory_space<vmem>>, vector<1x64xf32>,
    %get3A_214 = arith.constant 0 : index
    %get3A_215 = arith.constant 0 : index
    %get3A_216 = vector.load %arg13[%get3A_214, %get3A_215] : memref<1x64xf32, #tpu.memory_space<vmem>>, vector<1x64xf32>
    %reduce_sum3A_217 = arith.constant dense<0.000000e+00> : vector<64xf32>
    %reduce_sum3A_218 = vector.multi_reduction <add>, %get3A_113, %reduce_sum3A_217 [0] : vector<500x64xf32> to vector<64xf32>
    %broadcast_in_dim3A_219 = vector.shape_cast %reduce_sum3A_218 : vector<64xf32> to vector<1x64xf32>
    %add3A_220 = arith.addf %get3A_216, %broadcast_in_dim3A_219 : vector<1x64xf32>
    %swap3A_221 = arith.constant 0 : index
    %swap3A_222 = arith.constant 0 : index
    %swap3A_223 = vector.load %arg13[%swap3A_221, %swap3A_222] : memref<1x64xf32, #tpu.memory_space<vmem>>, vector<1x64xf32>
    tpu.vector_store %arg13[%swap3A_221, %swap3A_222], %add3A_220 {strides = array<i32>} : memref<1x64xf32, #tpu.memory_space<vmem>>, vector<1x64xf32>,
    %get3A_224 = arith.constant 1000 : index
    %get3A_225 = arith.constant 0 : index
    %get3A_226 = vector.load %arg2[%get3A_224, %get3A_225] : memref<4000x64xf32, #tpu.memory_space<vmem>>, vector<500x64xf32>
    %get3A_227 = arith.constant 1000 : index
    %get3A_228 = arith.constant 0 : index
    %get3A_229 = vector.load %arg3[%get3A_227, %get3A_228] : memref<4000x64xf32, #tpu.memory_space<vmem>>, vector<500x64xf32>
    %convert_element_type3A_230 = arith.truncf %get3A_226 : vector<500x64xf32> to vector<500x64xbf16>
    %dot_general3A_231 = arith.constant dense<0.000000e+00> : vector<1024x500xf32>
    %dot_general3A_232 = tpu.matmul %convert_element_type3A_4, %convert_element_type3A_230, %dot_general3A_231 {dimension_numbers = #tpu.dot_dimension_numbers<[1], [1], [0], [0], [0, 0, 1, 0], [], []>, transpose_lhs_hint = false} : vector<1024x64xbf16>, vector<500x64xbf16>, vector<1024x500xf32> -> vector<1024x500xf32>
    %mul3A_233 = arith.constant 2.000000e+01 : f32
    %mul3A_234 = vector.broadcast %mul3A_233 : f32 to vector<1024x500xf32>
    %mul3A_235 = arith.mulf %dot_general3A_232, %mul3A_234 : vector<1024x500xf32>
    %convert_element_type3A_236 = arith.truncf %get3A_229 : vector<500x64xf32> to vector<500x64xbf16>
    %dot_general3A_237 = arith.constant dense<0.000000e+00> : vector<1024x500xf32>
    %dot_general3A_238 = tpu.matmul %convert_element_type3A_4, %convert_element_type3A_236, %dot_general3A_237 {dimension_numbers = #tpu.dot_dimension_numbers<[1], [1], [0], [0], [0, 0, 1, 0], [], []>, transpose_lhs_hint = false} : vector<1024x64xbf16>, vector<500x64xbf16>, vector<1024x500xf32> -> vector<1024x500xf32>
    %mul3A_239 = arith.constant 2.000000e+01 : f32
    %mul3A_240 = vector.broadcast %mul3A_239 : f32 to vector<1024x500xf32>
    %mul3A_241 = arith.mulf %dot_general3A_238, %mul3A_240 : vector<1024x500xf32>
    %get3A_242 = arith.constant 0 : index
    %get3A_243 = arith.constant 0 : index
    %get3A_244 = vector.load %arg8[%get3A_242, %get3A_243] : memref<1024x1xf32, #tpu.memory_space<vmem>>, vector<1024x1xf32>
    %reduce_max3A_245 = arith.constant dense<0xFF800000> : vector<1024xf32>
    %reduce_max3A_246 = vector.multi_reduction <maximumf>, %mul3A_235, %reduce_max3A_245 [1] : vector<1024x500xf32> to vector<1024xf32>
    %broadcast_in_dim3A_247 = vector.shape_cast %reduce_max3A_246 : vector<1024xf32> to vector<1024x1xf32>
    %max3A_248 = arith.maximumf %get3A_244, %broadcast_in_dim3A_247 : vector<1024x1xf32>
    %get3A_249 = arith.constant 0 : index
    %get3A_250 = arith.constant 0 : index
    %get3A_251 = vector.load %arg9[%get3A_249, %get3A_250] : memref<1024x1xf32, #tpu.memory_space<vmem>>, vector<1024x1xf32>
    %sub3A_252 = arith.subf %get3A_244, %max3A_248 : vector<1024x1xf32>
    %exp3A_253 = math.exp %sub3A_252 : vector<1024x1xf32>
    %mul3A_254 = arith.mulf %get3A_251, %exp3A_253 : vector<1024x1xf32>
    %sub3A_255 = vector.broadcast %max3A_248 : vector<1024x1xf32> to vector<1024x500xf32>
    %sub3A_256 = arith.subf %mul3A_235, %sub3A_255 : vector<1024x500xf32>
    %exp3A_257 = math.exp %sub3A_256 : vector<1024x500xf32>
    %reduce_sum3A_258 = arith.constant dense<0.000000e+00> : vector<1024xf32>
    %reduce_sum3A_259 = vector.multi_reduction <add>, %exp3A_257, %reduce_sum3A_258 [1] : vector<1024x500xf32> to vector<1024xf32>
    %broadcast_in_dim3A_260 = vector.shape_cast %reduce_sum3A_259 : vector<1024xf32> to vector<1024x1xf32>
    %add3A_261 = arith.addf %mul3A_254, %broadcast_in_dim3A_260 : vector<1024x1xf32>
    %swap3A_262 = arith.constant 0 : index
    %swap3A_263 = arith.constant 0 : index
    %swap3A_264 = vector.load %arg9[%swap3A_262, %swap3A_263] : memref<1024x1xf32, #tpu.memory_space<vmem>>, vector<1024x1xf32>
    tpu.vector_store %arg9[%swap3A_262, %swap3A_263], %add3A_261 {strides = array<i32>} : memref<1024x1xf32, #tpu.memory_space<vmem>>, vector<1024x1xf32>,
    %swap3A_265 = arith.constant 0 : index
    %swap3A_266 = arith.constant 0 : index
    %swap3A_267 = vector.load %arg8[%swap3A_265, %swap3A_266] : memref<1024x1xf32, #tpu.memory_space<vmem>>, vector<1024x1xf32>
    tpu.vector_store %arg8[%swap3A_265, %swap3A_266], %max3A_248 {strides = array<i32>} : memref<1024x1xf32, #tpu.memory_space<vmem>>, vector<1024x1xf32>,
    %get3A_268 = arith.constant 0 : index
    %get3A_269 = arith.constant 0 : index
    %get3A_270 = vector.load %arg10[%get3A_268, %get3A_269] : memref<1024x1xf32, #tpu.memory_space<vmem>>, vector<1024x1xf32>
    %reduce_max3A_271 = arith.constant dense<0xFF800000> : vector<1024xf32>
    %reduce_max3A_272 = vector.multi_reduction <maximumf>, %mul3A_241, %reduce_max3A_271 [1] : vector<1024x500xf32> to vector<1024xf32>
    %broadcast_in_dim3A_273 = vector.shape_cast %reduce_max3A_272 : vector<1024xf32> to vector<1024x1xf32>
    %max3A_274 = arith.maximumf %get3A_270, %broadcast_in_dim3A_273 : vector<1024x1xf32>
    %get3A_275 = arith.constant 0 : index
    %get3A_276 = arith.constant 0 : index
    %get3A_277 = vector.load %arg11[%get3A_275, %get3A_276] : memref<1024x1xf32, #tpu.memory_space<vmem>>, vector<1024x1xf32>
    %sub3A_278 = arith.subf %get3A_270, %max3A_274 : vector<1024x1xf32>
    %exp3A_279 = math.exp %sub3A_278 : vector<1024x1xf32>
    %mul3A_280 = arith.mulf %get3A_277, %exp3A_279 : vector<1024x1xf32>
    %sub3A_281 = vector.broadcast %max3A_274 : vector<1024x1xf32> to vector<1024x500xf32>
    %sub3A_282 = arith.subf %mul3A_241, %sub3A_281 : vector<1024x500xf32>
    %exp3A_283 = math.exp %sub3A_282 : vector<1024x500xf32>
    %reduce_sum3A_284 = arith.constant dense<0.000000e+00> : vector<1024xf32>
    %reduce_sum3A_285 = vector.multi_reduction <add>, %exp3A_283, %reduce_sum3A_284 [1] : vector<1024x500xf32> to vector<1024xf32>
    %broadcast_in_dim3A_286 = vector.shape_cast %reduce_sum3A_285 : vector<1024xf32> to vector<1024x1xf32>
    %add3A_287 = arith.addf %mul3A_280, %broadcast_in_dim3A_286 : vector<1024x1xf32>
    %swap3A_288 = arith.constant 0 : index
    %swap3A_289 = arith.constant 0 : index
    %swap3A_290 = vector.load %arg11[%swap3A_288, %swap3A_289] : memref<1024x1xf32, #tpu.memory_space<vmem>>, vector<1024x1xf32>
    tpu.vector_store %arg11[%swap3A_288, %swap3A_289], %add3A_287 {strides = array<i32>} : memref<1024x1xf32, #tpu.memory_space<vmem>>, vector<1024x1xf32>,
    %swap3A_291 = arith.constant 0 : index
    %swap3A_292 = arith.constant 0 : index
    %swap3A_293 = vector.load %arg10[%swap3A_291, %swap3A_292] : memref<1024x1xf32, #tpu.memory_space<vmem>>, vector<1024x1xf32>
    tpu.vector_store %arg10[%swap3A_291, %swap3A_292], %max3A_274 {strides = array<i32>} : memref<1024x1xf32, #tpu.memory_space<vmem>>, vector<1024x1xf32>,
    %sub3A_294 = arith.subf %mul3A_235, %mul3A_241 : vector<1024x500xf32>
    %abs3A_295 = math.absf %sub3A_294 : vector<1024x500xf32>
    %lt3A_296 = arith.constant 1.000000e+00 : f32
    %lt3A_297 = vector.broadcast %lt3A_296 : f32 to vector<1024x500xf32>
    %lt3A_298 = arith.cmpf olt, %abs3A_295, %lt3A_297 : vector<1024x500xf32>
    %mul3A_299 = arith.constant 5.000000e-01 : f32
    %mul3A_300 = vector.broadcast %mul3A_299 : f32 to vector<1024x500xf32>
    %mul3A_301 = arith.mulf %mul3A_300, %sub3A_294 : vector<1024x500xf32>
    %mul3A_302 = arith.mulf %mul3A_301, %sub3A_294 : vector<1024x500xf32>
    %sub3A_303 = arith.constant 5.000000e-01 : f32
    %sub3A_304 = vector.broadcast %sub3A_303 : f32 to vector<1024x500xf32>
    %sub3A_305 = arith.subf %abs3A_295, %sub3A_304 : vector<1024x500xf32>
    %select_n3A_306 = arith.select %lt3A_298, %mul3A_302, %sub3A_305 : vector<1024x500xi1>, vector<1024x500xf32>
    %get3A_307 = arith.constant 0 : index
    %get3A_308 = arith.constant 0 : index
    %get3A_309 = vector.load %arg14[%get3A_307, %get3A_308] : memref<1x1xf32, #tpu.memory_space<vmem>>, vector<1x1xf32>
    %reduce_sum3A_310 = vector.shape_cast %select_n3A_306 : vector<1024x500xf32> to vector<1x1024x500xf32>
    %reduce_sum3A_311 = arith.constant dense<0.000000e+00> : vector<1xf32>
    %reduce_sum3A_312 = vector.multi_reduction <add>, %reduce_sum3A_310, %reduce_sum3A_311 [1, 2] : vector<1x1024x500xf32> to vector<1xf32>
    %reduce_sum3A_313 = vector.shape_cast %reduce_sum3A_312 : vector<1xf32> to vector<1x1x1xf32>
    %reduce_sum3A_314 = vector.extract %reduce_sum3A_313[0, 0, 0] : f32 from vector<1x1x1xf32>
    %broadcast_in_dim3A_315 = vector.broadcast %reduce_sum3A_314 : f32 to vector<1x1xf32>
    %add3A_316 = arith.addf %get3A_309, %broadcast_in_dim3A_315 : vector<1x1xf32>
    %swap3A_317 = arith.constant 0 : index
    %swap3A_318 = arith.constant 0 : index
    %swap3A_319 = vector.load %arg14[%swap3A_317, %swap3A_318] : memref<1x1xf32, #tpu.memory_space<vmem>>, vector<1x1xf32>
    tpu.vector_store %arg14[%swap3A_317, %swap3A_318], %add3A_316 {strides = array<i32>} : memref<1x1xf32, #tpu.memory_space<vmem>>, vector<1x1xf32>,
    %get3A_320 = arith.constant 0 : index
    %get3A_321 = arith.constant 0 : index
    %get3A_322 = vector.load %arg12[%get3A_320, %get3A_321] : memref<1x64xf32, #tpu.memory_space<vmem>>, vector<1x64xf32>
    %reduce_sum3A_323 = arith.constant dense<0.000000e+00> : vector<64xf32>
    %reduce_sum3A_324 = vector.multi_reduction <add>, %get3A_226, %reduce_sum3A_323 [0] : vector<500x64xf32> to vector<64xf32>
    %broadcast_in_dim3A_325 = vector.shape_cast %reduce_sum3A_324 : vector<64xf32> to vector<1x64xf32>
    %add3A_326 = arith.addf %get3A_322, %broadcast_in_dim3A_325 : vector<1x64xf32>
    %swap3A_327 = arith.constant 0 : index
    %swap3A_328 = arith.constant 0 : index
    %swap3A_329 = vector.load %arg12[%swap3A_327, %swap3A_328] : memref<1x64xf32, #tpu.memory_space<vmem>>, vector<1x64xf32>
    tpu.vector_store %arg12[%swap3A_327, %swap3A_328], %add3A_326 {strides = array<i32>} : memref<1x64xf32, #tpu.memory_space<vmem>>, vector<1x64xf32>,
    %get3A_330 = arith.constant 0 : index
    %get3A_331 = arith.constant 0 : index
    %get3A_332 = vector.load %arg13[%get3A_330, %get3A_331] : memref<1x64xf32, #tpu.memory_space<vmem>>, vector<1x64xf32>
    %reduce_sum3A_333 = arith.constant dense<0.000000e+00> : vector<64xf32>
    %reduce_sum3A_334 = vector.multi_reduction <add>, %get3A_229, %reduce_sum3A_333 [0] : vector<500x64xf32> to vector<64xf32>
    %broadcast_in_dim3A_335 = vector.shape_cast %reduce_sum3A_334 : vector<64xf32> to vector<1x64xf32>
    %add3A_336 = arith.addf %get3A_332, %broadcast_in_dim3A_335 : vector<1x64xf32>
    %swap3A_337 = arith.constant 0 : index
    %swap3A_338 = arith.constant 0 : index
    %swap3A_339 = vector.load %arg13[%swap3A_337, %swap3A_338] : memref<1x64xf32, #tpu.memory_space<vmem>>, vector<1x64xf32>
    tpu.vector_store %arg13[%swap3A_337, %swap3A_338], %add3A_336 {strides = array<i32>} : memref<1x64xf32, #tpu.memory_space<vmem>>, vector<1x64xf32>,
    %get3A_340 = arith.constant 1500 : index
    %get3A_341 = arith.constant 0 : index
    %get3A_342 = vector.load %arg2[%get3A_340, %get3A_341] : memref<4000x64xf32, #tpu.memory_space<vmem>>, vector<500x64xf32>
    %get3A_343 = arith.constant 1500 : index
    %get3A_344 = arith.constant 0 : index
    %get3A_345 = vector.load %arg3[%get3A_343, %get3A_344] : memref<4000x64xf32, #tpu.memory_space<vmem>>, vector<500x64xf32>
    %convert_element_type3A_346 = arith.truncf %get3A_342 : vector<500x64xf32> to vector<500x64xbf16>
    %dot_general3A_347 = arith.constant dense<0.000000e+00> : vector<1024x500xf32>
    %dot_general3A_348 = tpu.matmul %convert_element_type3A_4, %convert_element_type3A_346, %dot_general3A_347 {dimension_numbers = #tpu.dot_dimension_numbers<[1], [1], [0], [0], [0, 0, 1, 0], [], []>, transpose_lhs_hint = false} : vector<1024x64xbf16>, vector<500x64xbf16>, vector<1024x500xf32> -> vector<1024x500xf32>
    %mul3A_349 = arith.constant 2.000000e+01 : f32
    %mul3A_350 = vector.broadcast %mul3A_349 : f32 to vector<1024x500xf32>
    %mul3A_351 = arith.mulf %dot_general3A_348, %mul3A_350 : vector<1024x500xf32>
    %convert_element_type3A_352 = arith.truncf %get3A_345 : vector<500x64xf32> to vector<500x64xbf16>
    %dot_general3A_353 = arith.constant dense<0.000000e+00> : vector<1024x500xf32>
    %dot_general3A_354 = tpu.matmul %convert_element_type3A_4, %convert_element_type3A_352, %dot_general3A_353 {dimension_numbers = #tpu.dot_dimension_numbers<[1], [1], [0], [0], [0, 0, 1, 0], [], []>, transpose_lhs_hint = false} : vector<1024x64xbf16>, vector<500x64xbf16>, vector<1024x500xf32> -> vector<1024x500xf32>
    %mul3A_355 = arith.constant 2.000000e+01 : f32
    %mul3A_356 = vector.broadcast %mul3A_355 : f32 to vector<1024x500xf32>
    %mul3A_357 = arith.mulf %dot_general3A_354, %mul3A_356 : vector<1024x500xf32>
    %get3A_358 = arith.constant 0 : index
    %get3A_359 = arith.constant 0 : index
    %get3A_360 = vector.load %arg8[%get3A_358, %get3A_359] : memref<1024x1xf32, #tpu.memory_space<vmem>>, vector<1024x1xf32>
    %reduce_max3A_361 = arith.constant dense<0xFF800000> : vector<1024xf32>
    %reduce_max3A_362 = vector.multi_reduction <maximumf>, %mul3A_351, %reduce_max3A_361 [1] : vector<1024x500xf32> to vector<1024xf32>
    %broadcast_in_dim3A_363 = vector.shape_cast %reduce_max3A_362 : vector<1024xf32> to vector<1024x1xf32>
    %max3A_364 = arith.maximumf %get3A_360, %broadcast_in_dim3A_363 : vector<1024x1xf32>
    %get3A_365 = arith.constant 0 : index
    %get3A_366 = arith.constant 0 : index
    %get3A_367 = vector.load %arg9[%get3A_365, %get3A_366] : memref<1024x1xf32, #tpu.memory_space<vmem>>, vector<1024x1xf32>
    %sub3A_368 = arith.subf %get3A_360, %max3A_364 : vector<1024x1xf32>
    %exp3A_369 = math.exp %sub3A_368 : vector<1024x1xf32>
    %mul3A_370 = arith.mulf %get3A_367, %exp3A_369 : vector<1024x1xf32>
    %sub3A_371 = vector.broadcast %max3A_364 : vector<1024x1xf32> to vector<1024x500xf32>
    %sub3A_372 = arith.subf %mul3A_351, %sub3A_371 : vector<1024x500xf32>
    %exp3A_373 = math.exp %sub3A_372 : vector<1024x500xf32>
    %reduce_sum3A_374 = arith.constant dense<0.000000e+00> : vector<1024xf32>
    %reduce_sum3A_375 = vector.multi_reduction <add>, %exp3A_373, %reduce_sum3A_374 [1] : vector<1024x500xf32> to vector<1024xf32>
    %broadcast_in_dim3A_376 = vector.shape_cast %reduce_sum3A_375 : vector<1024xf32> to vector<1024x1xf32>
    %add3A_377 = arith.addf %mul3A_370, %broadcast_in_dim3A_376 : vector<1024x1xf32>
    %swap3A_378 = arith.constant 0 : index
    %swap3A_379 = arith.constant 0 : index
    %swap3A_380 = vector.load %arg9[%swap3A_378, %swap3A_379] : memref<1024x1xf32, #tpu.memory_space<vmem>>, vector<1024x1xf32>
    tpu.vector_store %arg9[%swap3A_378, %swap3A_379], %add3A_377 {strides = array<i32>} : memref<1024x1xf32, #tpu.memory_space<vmem>>, vector<1024x1xf32>,
    %swap3A_381 = arith.constant 0 : index
    %swap3A_382 = arith.constant 0 : index
    %swap3A_383 = vector.load %arg8[%swap3A_381, %swap3A_382] : memref<1024x1xf32, #tpu.memory_space<vmem>>, vector<1024x1xf32>
    tpu.vector_store %arg8[%swap3A_381, %swap3A_382], %max3A_364 {strides = array<i32>} : memref<1024x1xf32, #tpu.memory_space<vmem>>, vector<1024x1xf32>,
    %get3A_384 = arith.constant 0 : index
    %get3A_385 = arith.constant 0 : index
    %get3A_386 = vector.load %arg10[%get3A_384, %get3A_385] : memref<1024x1xf32, #tpu.memory_space<vmem>>, vector<1024x1xf32>
    %reduce_max3A_387 = arith.constant dense<0xFF800000> : vector<1024xf32>
    %reduce_max3A_388 = vector.multi_reduction <maximumf>, %mul3A_357, %reduce_max3A_387 [1] : vector<1024x500xf32> to vector<1024xf32>
    %broadcast_in_dim3A_389 = vector.shape_cast %reduce_max3A_388 : vector<1024xf32> to vector<1024x1xf32>
    %max3A_390 = arith.maximumf %get3A_386, %broadcast_in_dim3A_389 : vector<1024x1xf32>
    %get3A_391 = arith.constant 0 : index
    %get3A_392 = arith.constant 0 : index
    %get3A_393 = vector.load %arg11[%get3A_391, %get3A_392] : memref<1024x1xf32, #tpu.memory_space<vmem>>, vector<1024x1xf32>
    %sub3A_394 = arith.subf %get3A_386, %max3A_390 : vector<1024x1xf32>
    %exp3A_395 = math.exp %sub3A_394 : vector<1024x1xf32>
    %mul3A_396 = arith.mulf %get3A_393, %exp3A_395 : vector<1024x1xf32>
    %sub3A_397 = vector.broadcast %max3A_390 : vector<1024x1xf32> to vector<1024x500xf32>
    %sub3A_398 = arith.subf %mul3A_357, %sub3A_397 : vector<1024x500xf32>
    %exp3A_399 = math.exp %sub3A_398 : vector<1024x500xf32>
    %reduce_sum3A_400 = arith.constant dense<0.000000e+00> : vector<1024xf32>
    %reduce_sum3A_401 = vector.multi_reduction <add>, %exp3A_399, %reduce_sum3A_400 [1] : vector<1024x500xf32> to vector<1024xf32>
    %broadcast_in_dim3A_402 = vector.shape_cast %reduce_sum3A_401 : vector<1024xf32> to vector<1024x1xf32>
    %add3A_403 = arith.addf %mul3A_396, %broadcast_in_dim3A_402 : vector<1024x1xf32>
    %swap3A_404 = arith.constant 0 : index
    %swap3A_405 = arith.constant 0 : index
    %swap3A_406 = vector.load %arg11[%swap3A_404, %swap3A_405] : memref<1024x1xf32, #tpu.memory_space<vmem>>, vector<1024x1xf32>
    tpu.vector_store %arg11[%swap3A_404, %swap3A_405], %add3A_403 {strides = array<i32>} : memref<1024x1xf32, #tpu.memory_space<vmem>>, vector<1024x1xf32>,
    %swap3A_407 = arith.constant 0 : index
    %swap3A_408 = arith.constant 0 : index
    %swap3A_409 = vector.load %arg10[%swap3A_407, %swap3A_408] : memref<1024x1xf32, #tpu.memory_space<vmem>>, vector<1024x1xf32>
    tpu.vector_store %arg10[%swap3A_407, %swap3A_408], %max3A_390 {strides = array<i32>} : memref<1024x1xf32, #tpu.memory_space<vmem>>, vector<1024x1xf32>,
    %sub3A_410 = arith.subf %mul3A_351, %mul3A_357 : vector<1024x500xf32>
    %abs3A_411 = math.absf %sub3A_410 : vector<1024x500xf32>
    %lt3A_412 = arith.constant 1.000000e+00 : f32
    %lt3A_413 = vector.broadcast %lt3A_412 : f32 to vector<1024x500xf32>
    %lt3A_414 = arith.cmpf olt, %abs3A_411, %lt3A_413 : vector<1024x500xf32>
    %mul3A_415 = arith.constant 5.000000e-01 : f32
    %mul3A_416 = vector.broadcast %mul3A_415 : f32 to vector<1024x500xf32>
    %mul3A_417 = arith.mulf %mul3A_416, %sub3A_410 : vector<1024x500xf32>
    %mul3A_418 = arith.mulf %mul3A_417, %sub3A_410 : vector<1024x500xf32>
    %sub3A_419 = arith.constant 5.000000e-01 : f32
    %sub3A_420 = vector.broadcast %sub3A_419 : f32 to vector<1024x500xf32>
    %sub3A_421 = arith.subf %abs3A_411, %sub3A_420 : vector<1024x500xf32>
    %select_n3A_422 = arith.select %lt3A_414, %mul3A_418, %sub3A_421 : vector<1024x500xi1>, vector<1024x500xf32>
    %get3A_423 = arith.constant 0 : index
    %get3A_424 = arith.constant 0 : index
    %get3A_425 = vector.load %arg14[%get3A_423, %get3A_424] : memref<1x1xf32, #tpu.memory_space<vmem>>, vector<1x1xf32>
    %reduce_sum3A_426 = vector.shape_cast %select_n3A_422 : vector<1024x500xf32> to vector<1x1024x500xf32>
    %reduce_sum3A_427 = arith.constant dense<0.000000e+00> : vector<1xf32>
    %reduce_sum3A_428 = vector.multi_reduction <add>, %reduce_sum3A_426, %reduce_sum3A_427 [1, 2] : vector<1x1024x500xf32> to vector<1xf32>
    %reduce_sum3A_429 = vector.shape_cast %reduce_sum3A_428 : vector<1xf32> to vector<1x1x1xf32>
    %reduce_sum3A_430 = vector.extract %reduce_sum3A_429[0, 0, 0] : f32 from vector<1x1x1xf32>
    %broadcast_in_dim3A_431 = vector.broadcast %reduce_sum3A_430 : f32 to vector<1x1xf32>
    %add3A_432 = arith.addf %get3A_425, %broadcast_in_dim3A_431 : vector<1x1xf32>
    %swap3A_433 = arith.constant 0 : index
    %swap3A_434 = arith.constant 0 : index
    %swap3A_435 = vector.load %arg14[%swap3A_433, %swap3A_434] : memref<1x1xf32, #tpu.memory_space<vmem>>, vector<1x1xf32>
    tpu.vector_store %arg14[%swap3A_433, %swap3A_434], %add3A_432 {strides = array<i32>} : memref<1x1xf32, #tpu.memory_space<vmem>>, vector<1x1xf32>,
    %get3A_436 = arith.constant 0 : index
    %get3A_437 = arith.constant 0 : index
    %get3A_438 = vector.load %arg12[%get3A_436, %get3A_437] : memref<1x64xf32, #tpu.memory_space<vmem>>, vector<1x64xf32>
    %reduce_sum3A_439 = arith.constant dense<0.000000e+00> : vector<64xf32>
    %reduce_sum3A_440 = vector.multi_reduction <add>, %get3A_342, %reduce_sum3A_439 [0] : vector<500x64xf32> to vector<64xf32>
    %broadcast_in_dim3A_441 = vector.shape_cast %reduce_sum3A_440 : vector<64xf32> to vector<1x64xf32>
    %add3A_442 = arith.addf %get3A_438, %broadcast_in_dim3A_441 : vector<1x64xf32>
    %swap3A_443 = arith.constant 0 : index
    %swap3A_444 = arith.constant 0 : index
    %swap3A_445 = vector.load %arg12[%swap3A_443, %swap3A_444] : memref<1x64xf32, #tpu.memory_space<vmem>>, vector<1x64xf32>
    tpu.vector_store %arg12[%swap3A_443, %swap3A_444], %add3A_442 {strides = array<i32>} : memref<1x64xf32, #tpu.memory_space<vmem>>, vector<1x64xf32>,
    %get3A_446 = arith.constant 0 : index
    %get3A_447 = arith.constant 0 : index
    %get3A_448 = vector.load %arg13[%get3A_446, %get3A_447] : memref<1x64xf32, #tpu.memory_space<vmem>>, vector<1x64xf32>
    %reduce_sum3A_449 = arith.constant dense<0.000000e+00> : vector<64xf32>
    %reduce_sum3A_450 = vector.multi_reduction <add>, %get3A_345, %reduce_sum3A_449 [0] : vector<500x64xf32> to vector<64xf32>
    %broadcast_in_dim3A_451 = vector.shape_cast %reduce_sum3A_450 : vector<64xf32> to vector<1x64xf32>
    %add3A_452 = arith.addf %get3A_448, %broadcast_in_dim3A_451 : vector<1x64xf32>
    %swap3A_453 = arith.constant 0 : index
    %swap3A_454 = arith.constant 0 : index
    %swap3A_455 = vector.load %arg13[%swap3A_453, %swap3A_454] : memref<1x64xf32, #tpu.memory_space<vmem>>, vector<1x64xf32>
    tpu.vector_store %arg13[%swap3A_453, %swap3A_454], %add3A_452 {strides = array<i32>} : memref<1x64xf32, #tpu.memory_space<vmem>>, vector<1x64xf32>,
    %get3A_456 = arith.constant 2000 : index
    %get3A_457 = arith.constant 0 : index
    %get3A_458 = vector.load %arg2[%get3A_456, %get3A_457] : memref<4000x64xf32, #tpu.memory_space<vmem>>, vector<500x64xf32>
    %get3A_459 = arith.constant 2000 : index
    %get3A_460 = arith.constant 0 : index
    %get3A_461 = vector.load %arg3[%get3A_459, %get3A_460] : memref<4000x64xf32, #tpu.memory_space<vmem>>, vector<500x64xf32>
    %convert_element_type3A_462 = arith.truncf %get3A_458 : vector<500x64xf32> to vector<500x64xbf16>
    %dot_general3A_463 = arith.constant dense<0.000000e+00> : vector<1024x500xf32>
    %dot_general3A_464 = tpu.matmul %convert_element_type3A_4, %convert_element_type3A_462, %dot_general3A_463 {dimension_numbers = #tpu.dot_dimension_numbers<[1], [1], [0], [0], [0, 0, 1, 0], [], []>, transpose_lhs_hint = false} : vector<1024x64xbf16>, vector<500x64xbf16>, vector<1024x500xf32> -> vector<1024x500xf32>
    %mul3A_465 = arith.constant 2.000000e+01 : f32
    %mul3A_466 = vector.broadcast %mul3A_465 : f32 to vector<1024x500xf32>
    %mul3A_467 = arith.mulf %dot_general3A_464, %mul3A_466 : vector<1024x500xf32>
    %convert_element_type3A_468 = arith.truncf %get3A_461 : vector<500x64xf32> to vector<500x64xbf16>
    %dot_general3A_469 = arith.constant dense<0.000000e+00> : vector<1024x500xf32>
    %dot_general3A_470 = tpu.matmul %convert_element_type3A_4, %convert_element_type3A_468, %dot_general3A_469 {dimension_numbers = #tpu.dot_dimension_numbers<[1], [1], [0], [0], [0, 0, 1, 0], [], []>, transpose_lhs_hint = false} : vector<1024x64xbf16>, vector<500x64xbf16>, vector<1024x500xf32> -> vector<1024x500xf32>
    %mul3A_471 = arith.constant 2.000000e+01 : f32
    %mul3A_472 = vector.broadcast %mul3A_471 : f32 to vector<1024x500xf32>
    %mul3A_473 = arith.mulf %dot_general3A_470, %mul3A_472 : vector<1024x500xf32>
    %get3A_474 = arith.constant 0 : index
    %get3A_475 = arith.constant 0 : index
    %get3A_476 = vector.load %arg8[%get3A_474, %get3A_475] : memref<1024x1xf32, #tpu.memory_space<vmem>>, vector<1024x1xf32>
    %reduce_max3A_477 = arith.constant dense<0xFF800000> : vector<1024xf32>
    %reduce_max3A_478 = vector.multi_reduction <maximumf>, %mul3A_467, %reduce_max3A_477 [1] : vector<1024x500xf32> to vector<1024xf32>
    %broadcast_in_dim3A_479 = vector.shape_cast %reduce_max3A_478 : vector<1024xf32> to vector<1024x1xf32>
    %max3A_480 = arith.maximumf %get3A_476, %broadcast_in_dim3A_479 : vector<1024x1xf32>
    %get3A_481 = arith.constant 0 : index
    %get3A_482 = arith.constant 0 : index
    %get3A_483 = vector.load %arg9[%get3A_481, %get3A_482] : memref<1024x1xf32, #tpu.memory_space<vmem>>, vector<1024x1xf32>
    %sub3A_484 = arith.subf %get3A_476, %max3A_480 : vector<1024x1xf32>
    %exp3A_485 = math.exp %sub3A_484 : vector<1024x1xf32>
    %mul3A_486 = arith.mulf %get3A_483, %exp3A_485 : vector<1024x1xf32>
    %sub3A_487 = vector.broadcast %max3A_480 : vector<1024x1xf32> to vector<1024x500xf32>
    %sub3A_488 = arith.subf %mul3A_467, %sub3A_487 : vector<1024x500xf32>
    %exp3A_489 = math.exp %sub3A_488 : vector<1024x500xf32>
    %reduce_sum3A_490 = arith.constant dense<0.000000e+00> : vector<1024xf32>
    %reduce_sum3A_491 = vector.multi_reduction <add>, %exp3A_489, %reduce_sum3A_490 [1] : vector<1024x500xf32> to vector<1024xf32>
    %broadcast_in_dim3A_492 = vector.shape_cast %reduce_sum3A_491 : vector<1024xf32> to vector<1024x1xf32>
    %add3A_493 = arith.addf %mul3A_486, %broadcast_in_dim3A_492 : vector<1024x1xf32>
    %swap3A_494 = arith.constant 0 : index
    %swap3A_495 = arith.constant 0 : index
    %swap3A_496 = vector.load %arg9[%swap3A_494, %swap3A_495] : memref<1024x1xf32, #tpu.memory_space<vmem>>, vector<1024x1xf32>
    tpu.vector_store %arg9[%swap3A_494, %swap3A_495], %add3A_493 {strides = array<i32>} : memref<1024x1xf32, #tpu.memory_space<vmem>>, vector<1024x1xf32>,
    %swap3A_497 = arith.constant 0 : index
    %swap3A_498 = arith.constant 0 : index
    %swap3A_499 = vector.load %arg8[%swap3A_497, %swap3A_498] : memref<1024x1xf32, #tpu.memory_space<vmem>>, vector<1024x1xf32>
    tpu.vector_store %arg8[%swap3A_497, %swap3A_498], %max3A_480 {strides = array<i32>} : memref<1024x1xf32, #tpu.memory_space<vmem>>, vector<1024x1xf32>,
    %get3A_500 = arith.constant 0 : index
    %get3A_501 = arith.constant 0 : index
    %get3A_502 = vector.load %arg10[%get3A_500, %get3A_501] : memref<1024x1xf32, #tpu.memory_space<vmem>>, vector<1024x1xf32>
    %reduce_max3A_503 = arith.constant dense<0xFF800000> : vector<1024xf32>
    %reduce_max3A_504 = vector.multi_reduction <maximumf>, %mul3A_473, %reduce_max3A_503 [1] : vector<1024x500xf32> to vector<1024xf32>
    %broadcast_in_dim3A_505 = vector.shape_cast %reduce_max3A_504 : vector<1024xf32> to vector<1024x1xf32>
    %max3A_506 = arith.maximumf %get3A_502, %broadcast_in_dim3A_505 : vector<1024x1xf32>
    %get3A_507 = arith.constant 0 : index
    %get3A_508 = arith.constant 0 : index
    %get3A_509 = vector.load %arg11[%get3A_507, %get3A_508] : memref<1024x1xf32, #tpu.memory_space<vmem>>, vector<1024x1xf32>
    %sub3A_510 = arith.subf %get3A_502, %max3A_506 : vector<1024x1xf32>
    %exp3A_511 = math.exp %sub3A_510 : vector<1024x1xf32>
    %mul3A_512 = arith.mulf %get3A_509, %exp3A_511 : vector<1024x1xf32>
    %sub3A_513 = vector.broadcast %max3A_506 : vector<1024x1xf32> to vector<1024x500xf32>
    %sub3A_514 = arith.subf %mul3A_473, %sub3A_513 : vector<1024x500xf32>
    %exp3A_515 = math.exp %sub3A_514 : vector<1024x500xf32>
    %reduce_sum3A_516 = arith.constant dense<0.000000e+00> : vector<1024xf32>
    %reduce_sum3A_517 = vector.multi_reduction <add>, %exp3A_515, %reduce_sum3A_516 [1] : vector<1024x500xf32> to vector<1024xf32>
    %broadcast_in_dim3A_518 = vector.shape_cast %reduce_sum3A_517 : vector<1024xf32> to vector<1024x1xf32>
    %add3A_519 = arith.addf %mul3A_512, %broadcast_in_dim3A_518 : vector<1024x1xf32>
    %swap3A_520 = arith.constant 0 : index
    %swap3A_521 = arith.constant 0 : index
    %swap3A_522 = vector.load %arg11[%swap3A_520, %swap3A_521] : memref<1024x1xf32, #tpu.memory_space<vmem>>, vector<1024x1xf32>
    tpu.vector_store %arg11[%swap3A_520, %swap3A_521], %add3A_519 {strides = array<i32>} : memref<1024x1xf32, #tpu.memory_space<vmem>>, vector<1024x1xf32>,
    %swap3A_523 = arith.constant 0 : index
    %swap3A_524 = arith.constant 0 : index
    %swap3A_525 = vector.load %arg10[%swap3A_523, %swap3A_524] : memref<1024x1xf32, #tpu.memory_space<vmem>>, vector<1024x1xf32>
    tpu.vector_store %arg10[%swap3A_523, %swap3A_524], %max3A_506 {strides = array<i32>} : memref<1024x1xf32, #tpu.memory_space<vmem>>, vector<1024x1xf32>,
    %sub3A_526 = arith.subf %mul3A_467, %mul3A_473 : vector<1024x500xf32>
    %abs3A_527 = math.absf %sub3A_526 : vector<1024x500xf32>
    %lt3A_528 = arith.constant 1.000000e+00 : f32
    %lt3A_529 = vector.broadcast %lt3A_528 : f32 to vector<1024x500xf32>
    %lt3A_530 = arith.cmpf olt, %abs3A_527, %lt3A_529 : vector<1024x500xf32>
    %mul3A_531 = arith.constant 5.000000e-01 : f32
    %mul3A_532 = vector.broadcast %mul3A_531 : f32 to vector<1024x500xf32>
    %mul3A_533 = arith.mulf %mul3A_532, %sub3A_526 : vector<1024x500xf32>
    %mul3A_534 = arith.mulf %mul3A_533, %sub3A_526 : vector<1024x500xf32>
    %sub3A_535 = arith.constant 5.000000e-01 : f32
    %sub3A_536 = vector.broadcast %sub3A_535 : f32 to vector<1024x500xf32>
    %sub3A_537 = arith.subf %abs3A_527, %sub3A_536 : vector<1024x500xf32>
    %select_n3A_538 = arith.select %lt3A_530, %mul3A_534, %sub3A_537 : vector<1024x500xi1>, vector<1024x500xf32>
    %get3A_539 = arith.constant 0 : index
    %get3A_540 = arith.constant 0 : index
    %get3A_541 = vector.load %arg14[%get3A_539, %get3A_540] : memref<1x1xf32, #tpu.memory_space<vmem>>, vector<1x1xf32>
    %reduce_sum3A_542 = vector.shape_cast %select_n3A_538 : vector<1024x500xf32> to vector<1x1024x500xf32>
    %reduce_sum3A_543 = arith.constant dense<0.000000e+00> : vector<1xf32>
    %reduce_sum3A_544 = vector.multi_reduction <add>, %reduce_sum3A_542, %reduce_sum3A_543 [1, 2] : vector<1x1024x500xf32> to vector<1xf32>
    %reduce_sum3A_545 = vector.shape_cast %reduce_sum3A_544 : vector<1xf32> to vector<1x1x1xf32>
    %reduce_sum3A_546 = vector.extract %reduce_sum3A_545[0, 0, 0] : f32 from vector<1x1x1xf32>
    %broadcast_in_dim3A_547 = vector.broadcast %reduce_sum3A_546 : f32 to vector<1x1xf32>
    %add3A_548 = arith.addf %get3A_541, %broadcast_in_dim3A_547 : vector<1x1xf32>
    %swap3A_549 = arith.constant 0 : index
    %swap3A_550 = arith.constant 0 : index
    %swap3A_551 = vector.load %arg14[%swap3A_549, %swap3A_550] : memref<1x1xf32, #tpu.memory_space<vmem>>, vector<1x1xf32>
    tpu.vector_store %arg14[%swap3A_549, %swap3A_550], %add3A_548 {strides = array<i32>} : memref<1x1xf32, #tpu.memory_space<vmem>>, vector<1x1xf32>,
    %get3A_552 = arith.constant 0 : index
    %get3A_553 = arith.constant 0 : index
    %get3A_554 = vector.load %arg12[%get3A_552, %get3A_553] : memref<1x64xf32, #tpu.memory_space<vmem>>, vector<1x64xf32>
    %reduce_sum3A_555 = arith.constant dense<0.000000e+00> : vector<64xf32>
    %reduce_sum3A_556 = vector.multi_reduction <add>, %get3A_458, %reduce_sum3A_555 [0] : vector<500x64xf32> to vector<64xf32>
    %broadcast_in_dim3A_557 = vector.shape_cast %reduce_sum3A_556 : vector<64xf32> to vector<1x64xf32>
    %add3A_558 = arith.addf %get3A_554, %broadcast_in_dim3A_557 : vector<1x64xf32>
    %swap3A_559 = arith.constant 0 : index
    %swap3A_560 = arith.constant 0 : index
    %swap3A_561 = vector.load %arg12[%swap3A_559, %swap3A_560] : memref<1x64xf32, #tpu.memory_space<vmem>>, vector<1x64xf32>
    tpu.vector_store %arg12[%swap3A_559, %swap3A_560], %add3A_558 {strides = array<i32>} : memref<1x64xf32, #tpu.memory_space<vmem>>, vector<1x64xf32>,
    %get3A_562 = arith.constant 0 : index
    %get3A_563 = arith.constant 0 : index
    %get3A_564 = vector.load %arg13[%get3A_562, %get3A_563] : memref<1x64xf32, #tpu.memory_space<vmem>>, vector<1x64xf32>
    %reduce_sum3A_565 = arith.constant dense<0.000000e+00> : vector<64xf32>
    %reduce_sum3A_566 = vector.multi_reduction <add>, %get3A_461, %reduce_sum3A_565 [0] : vector<500x64xf32> to vector<64xf32>
    %broadcast_in_dim3A_567 = vector.shape_cast %reduce_sum3A_566 : vector<64xf32> to vector<1x64xf32>
    %add3A_568 = arith.addf %get3A_564, %broadcast_in_dim3A_567 : vector<1x64xf32>
    %swap3A_569 = arith.constant 0 : index
    %swap3A_570 = arith.constant 0 : index
    %swap3A_571 = vector.load %arg13[%swap3A_569, %swap3A_570] : memref<1x64xf32, #tpu.memory_space<vmem>>, vector<1x64xf32>
    tpu.vector_store %arg13[%swap3A_569, %swap3A_570], %add3A_568 {strides = array<i32>} : memref<1x64xf32, #tpu.memory_space<vmem>>, vector<1x64xf32>,
    %get3A_572 = arith.constant 2500 : index
    %get3A_573 = arith.constant 0 : index
    %get3A_574 = vector.load %arg2[%get3A_572, %get3A_573] : memref<4000x64xf32, #tpu.memory_space<vmem>>, vector<500x64xf32>
    %get3A_575 = arith.constant 2500 : index
    %get3A_576 = arith.constant 0 : index
    %get3A_577 = vector.load %arg3[%get3A_575, %get3A_576] : memref<4000x64xf32, #tpu.memory_space<vmem>>, vector<500x64xf32>
    %convert_element_type3A_578 = arith.truncf %get3A_574 : vector<500x64xf32> to vector<500x64xbf16>
    %dot_general3A_579 = arith.constant dense<0.000000e+00> : vector<1024x500xf32>
    %dot_general3A_580 = tpu.matmul %convert_element_type3A_4, %convert_element_type3A_578, %dot_general3A_579 {dimension_numbers = #tpu.dot_dimension_numbers<[1], [1], [0], [0], [0, 0, 1, 0], [], []>, transpose_lhs_hint = false} : vector<1024x64xbf16>, vector<500x64xbf16>, vector<1024x500xf32> -> vector<1024x500xf32>
    %mul3A_581 = arith.constant 2.000000e+01 : f32
    %mul3A_582 = vector.broadcast %mul3A_581 : f32 to vector<1024x500xf32>
    %mul3A_583 = arith.mulf %dot_general3A_580, %mul3A_582 : vector<1024x500xf32>
    %convert_element_type3A_584 = arith.truncf %get3A_577 : vector<500x64xf32> to vector<500x64xbf16>
    %dot_general3A_585 = arith.constant dense<0.000000e+00> : vector<1024x500xf32>
    %dot_general3A_586 = tpu.matmul %convert_element_type3A_4, %convert_element_type3A_584, %dot_general3A_585 {dimension_numbers = #tpu.dot_dimension_numbers<[1], [1], [0], [0], [0, 0, 1, 0], [], []>, transpose_lhs_hint = false} : vector<1024x64xbf16>, vector<500x64xbf16>, vector<1024x500xf32> -> vector<1024x500xf32>
    %mul3A_587 = arith.constant 2.000000e+01 : f32
    %mul3A_588 = vector.broadcast %mul3A_587 : f32 to vector<1024x500xf32>
    %mul3A_589 = arith.mulf %dot_general3A_586, %mul3A_588 : vector<1024x500xf32>
    %get3A_590 = arith.constant 0 : index
    %get3A_591 = arith.constant 0 : index
    %get3A_592 = vector.load %arg8[%get3A_590, %get3A_591] : memref<1024x1xf32, #tpu.memory_space<vmem>>, vector<1024x1xf32>
    %reduce_max3A_593 = arith.constant dense<0xFF800000> : vector<1024xf32>
    %reduce_max3A_594 = vector.multi_reduction <maximumf>, %mul3A_583, %reduce_max3A_593 [1] : vector<1024x500xf32> to vector<1024xf32>
    %broadcast_in_dim3A_595 = vector.shape_cast %reduce_max3A_594 : vector<1024xf32> to vector<1024x1xf32>
    %max3A_596 = arith.maximumf %get3A_592, %broadcast_in_dim3A_595 : vector<1024x1xf32>
    %get3A_597 = arith.constant 0 : index
    %get3A_598 = arith.constant 0 : index
    %get3A_599 = vector.load %arg9[%get3A_597, %get3A_598] : memref<1024x1xf32, #tpu.memory_space<vmem>>, vector<1024x1xf32>
    %sub3A_600 = arith.subf %get3A_592, %max3A_596 : vector<1024x1xf32>
    %exp3A_601 = math.exp %sub3A_600 : vector<1024x1xf32>
    %mul3A_602 = arith.mulf %get3A_599, %exp3A_601 : vector<1024x1xf32>
    %sub3A_603 = vector.broadcast %max3A_596 : vector<1024x1xf32> to vector<1024x500xf32>
    %sub3A_604 = arith.subf %mul3A_583, %sub3A_603 : vector<1024x500xf32>
    %exp3A_605 = math.exp %sub3A_604 : vector<1024x500xf32>
    %reduce_sum3A_606 = arith.constant dense<0.000000e+00> : vector<1024xf32>
    %reduce_sum3A_607 = vector.multi_reduction <add>, %exp3A_605, %reduce_sum3A_606 [1] : vector<1024x500xf32> to vector<1024xf32>
    %broadcast_in_dim3A_608 = vector.shape_cast %reduce_sum3A_607 : vector<1024xf32> to vector<1024x1xf32>
    %add3A_609 = arith.addf %mul3A_602, %broadcast_in_dim3A_608 : vector<1024x1xf32>
    %swap3A_610 = arith.constant 0 : index
    %swap3A_611 = arith.constant 0 : index
    %swap3A_612 = vector.load %arg9[%swap3A_610, %swap3A_611] : memref<1024x1xf32, #tpu.memory_space<vmem>>, vector<1024x1xf32>
    tpu.vector_store %arg9[%swap3A_610, %swap3A_611], %add3A_609 {strides = array<i32>} : memref<1024x1xf32, #tpu.memory_space<vmem>>, vector<1024x1xf32>,
    %swap3A_613 = arith.constant 0 : index
    %swap3A_614 = arith.constant 0 : index
    %swap3A_615 = vector.load %arg8[%swap3A_613, %swap3A_614] : memref<1024x1xf32, #tpu.memory_space<vmem>>, vector<1024x1xf32>
    tpu.vector_store %arg8[%swap3A_613, %swap3A_614], %max3A_596 {strides = array<i32>} : memref<1024x1xf32, #tpu.memory_space<vmem>>, vector<1024x1xf32>,
    %get3A_616 = arith.constant 0 : index
    %get3A_617 = arith.constant 0 : index
    %get3A_618 = vector.load %arg10[%get3A_616, %get3A_617] : memref<1024x1xf32, #tpu.memory_space<vmem>>, vector<1024x1xf32>
    %reduce_max3A_619 = arith.constant dense<0xFF800000> : vector<1024xf32>
    %reduce_max3A_620 = vector.multi_reduction <maximumf>, %mul3A_589, %reduce_max3A_619 [1] : vector<1024x500xf32> to vector<1024xf32>
    %broadcast_in_dim3A_621 = vector.shape_cast %reduce_max3A_620 : vector<1024xf32> to vector<1024x1xf32>
    %max3A_622 = arith.maximumf %get3A_618, %broadcast_in_dim3A_621 : vector<1024x1xf32>
    %get3A_623 = arith.constant 0 : index
    %get3A_624 = arith.constant 0 : index
    %get3A_625 = vector.load %arg11[%get3A_623, %get3A_624] : memref<1024x1xf32, #tpu.memory_space<vmem>>, vector<1024x1xf32>
    %sub3A_626 = arith.subf %get3A_618, %max3A_622 : vector<1024x1xf32>
    %exp3A_627 = math.exp %sub3A_626 : vector<1024x1xf32>
    %mul3A_628 = arith.mulf %get3A_625, %exp3A_627 : vector<1024x1xf32>
    %sub3A_629 = vector.broadcast %max3A_622 : vector<1024x1xf32> to vector<1024x500xf32>
    %sub3A_630 = arith.subf %mul3A_589, %sub3A_629 : vector<1024x500xf32>
    %exp3A_631 = math.exp %sub3A_630 : vector<1024x500xf32>
    %reduce_sum3A_632 = arith.constant dense<0.000000e+00> : vector<1024xf32>
    %reduce_sum3A_633 = vector.multi_reduction <add>, %exp3A_631, %reduce_sum3A_632 [1] : vector<1024x500xf32> to vector<1024xf32>
    %broadcast_in_dim3A_634 = vector.shape_cast %reduce_sum3A_633 : vector<1024xf32> to vector<1024x1xf32>
    %add3A_635 = arith.addf %mul3A_628, %broadcast_in_dim3A_634 : vector<1024x1xf32>
    %swap3A_636 = arith.constant 0 : index
    %swap3A_637 = arith.constant 0 : index
    %swap3A_638 = vector.load %arg11[%swap3A_636, %swap3A_637] : memref<1024x1xf32, #tpu.memory_space<vmem>>, vector<1024x1xf32>
    tpu.vector_store %arg11[%swap3A_636, %swap3A_637], %add3A_635 {strides = array<i32>} : memref<1024x1xf32, #tpu.memory_space<vmem>>, vector<1024x1xf32>,
    %swap3A_639 = arith.constant 0 : index
    %swap3A_640 = arith.constant 0 : index
    %swap3A_641 = vector.load %arg10[%swap3A_639, %swap3A_640] : memref<1024x1xf32, #tpu.memory_space<vmem>>, vector<1024x1xf32>
    tpu.vector_store %arg10[%swap3A_639, %swap3A_640], %max3A_622 {strides = array<i32>} : memref<1024x1xf32, #tpu.memory_space<vmem>>, vector<1024x1xf32>,
    %sub3A_642 = arith.subf %mul3A_583, %mul3A_589 : vector<1024x500xf32>
    %abs3A_643 = math.absf %sub3A_642 : vector<1024x500xf32>
    %lt3A_644 = arith.constant 1.000000e+00 : f32
    %lt3A_645 = vector.broadcast %lt3A_644 : f32 to vector<1024x500xf32>
    %lt3A_646 = arith.cmpf olt, %abs3A_643, %lt3A_645 : vector<1024x500xf32>
    %mul3A_647 = arith.constant 5.000000e-01 : f32
    %mul3A_648 = vector.broadcast %mul3A_647 : f32 to vector<1024x500xf32>
    %mul3A_649 = arith.mulf %mul3A_648, %sub3A_642 : vector<1024x500xf32>
    %mul3A_650 = arith.mulf %mul3A_649, %sub3A_642 : vector<1024x500xf32>
    %sub3A_651 = arith.constant 5.000000e-01 : f32
    %sub3A_652 = vector.broadcast %sub3A_651 : f32 to vector<1024x500xf32>
    %sub3A_653 = arith.subf %abs3A_643, %sub3A_652 : vector<1024x500xf32>
    %select_n3A_654 = arith.select %lt3A_646, %mul3A_650, %sub3A_653 : vector<1024x500xi1>, vector<1024x500xf32>
    %get3A_655 = arith.constant 0 : index
    %get3A_656 = arith.constant 0 : index
    %get3A_657 = vector.load %arg14[%get3A_655, %get3A_656] : memref<1x1xf32, #tpu.memory_space<vmem>>, vector<1x1xf32>
    %reduce_sum3A_658 = vector.shape_cast %select_n3A_654 : vector<1024x500xf32> to vector<1x1024x500xf32>
    %reduce_sum3A_659 = arith.constant dense<0.000000e+00> : vector<1xf32>
    %reduce_sum3A_660 = vector.multi_reduction <add>, %reduce_sum3A_658, %reduce_sum3A_659 [1, 2] : vector<1x1024x500xf32> to vector<1xf32>
    %reduce_sum3A_661 = vector.shape_cast %reduce_sum3A_660 : vector<1xf32> to vector<1x1x1xf32>
    %reduce_sum3A_662 = vector.extract %reduce_sum3A_661[0, 0, 0] : f32 from vector<1x1x1xf32>
    %broadcast_in_dim3A_663 = vector.broadcast %reduce_sum3A_662 : f32 to vector<1x1xf32>
    %add3A_664 = arith.addf %get3A_657, %broadcast_in_dim3A_663 : vector<1x1xf32>
    %swap3A_665 = arith.constant 0 : index
    %swap3A_666 = arith.constant 0 : index
    %swap3A_667 = vector.load %arg14[%swap3A_665, %swap3A_666] : memref<1x1xf32, #tpu.memory_space<vmem>>, vector<1x1xf32>
    tpu.vector_store %arg14[%swap3A_665, %swap3A_666], %add3A_664 {strides = array<i32>} : memref<1x1xf32, #tpu.memory_space<vmem>>, vector<1x1xf32>,
    %get3A_668 = arith.constant 0 : index
    %get3A_669 = arith.constant 0 : index
    %get3A_670 = vector.load %arg12[%get3A_668, %get3A_669] : memref<1x64xf32, #tpu.memory_space<vmem>>, vector<1x64xf32>
    %reduce_sum3A_671 = arith.constant dense<0.000000e+00> : vector<64xf32>
    %reduce_sum3A_672 = vector.multi_reduction <add>, %get3A_574, %reduce_sum3A_671 [0] : vector<500x64xf32> to vector<64xf32>
    %broadcast_in_dim3A_673 = vector.shape_cast %reduce_sum3A_672 : vector<64xf32> to vector<1x64xf32>
    %add3A_674 = arith.addf %get3A_670, %broadcast_in_dim3A_673 : vector<1x64xf32>
    %swap3A_675 = arith.constant 0 : index
    %swap3A_676 = arith.constant 0 : index
    %swap3A_677 = vector.load %arg12[%swap3A_675, %swap3A_676] : memref<1x64xf32, #tpu.memory_space<vmem>>, vector<1x64xf32>
    tpu.vector_store %arg12[%swap3A_675, %swap3A_676], %add3A_674 {strides = array<i32>} : memref<1x64xf32, #tpu.memory_space<vmem>>, vector<1x64xf32>,
    %get3A_678 = arith.constant 0 : index
    %get3A_679 = arith.constant 0 : index
    %get3A_680 = vector.load %arg13[%get3A_678, %get3A_679] : memref<1x64xf32, #tpu.memory_space<vmem>>, vector<1x64xf32>
    %reduce_sum3A_681 = arith.constant dense<0.000000e+00> : vector<64xf32>
    %reduce_sum3A_682 = vector.multi_reduction <add>, %get3A_577, %reduce_sum3A_681 [0] : vector<500x64xf32> to vector<64xf32>
    %broadcast_in_dim3A_683 = vector.shape_cast %reduce_sum3A_682 : vector<64xf32> to vector<1x64xf32>
    %add3A_684 = arith.addf %get3A_680, %broadcast_in_dim3A_683 : vector<1x64xf32>
    %swap3A_685 = arith.constant 0 : index
    %swap3A_686 = arith.constant 0 : index
    %swap3A_687 = vector.load %arg13[%swap3A_685, %swap3A_686] : memref<1x64xf32, #tpu.memory_space<vmem>>, vector<1x64xf32>
    tpu.vector_store %arg13[%swap3A_685, %swap3A_686], %add3A_684 {strides = array<i32>} : memref<1x64xf32, #tpu.memory_space<vmem>>, vector<1x64xf32>,
    %get3A_688 = arith.constant 3000 : index
    %get3A_689 = arith.constant 0 : index
    %get3A_690 = vector.load %arg2[%get3A_688, %get3A_689] : memref<4000x64xf32, #tpu.memory_space<vmem>>, vector<500x64xf32>
    %get3A_691 = arith.constant 3000 : index
    %get3A_692 = arith.constant 0 : index
    %get3A_693 = vector.load %arg3[%get3A_691, %get3A_692] : memref<4000x64xf32, #tpu.memory_space<vmem>>, vector<500x64xf32>
    %convert_element_type3A_694 = arith.truncf %get3A_690 : vector<500x64xf32> to vector<500x64xbf16>
    %dot_general3A_695 = arith.constant dense<0.000000e+00> : vector<1024x500xf32>
    %dot_general3A_696 = tpu.matmul %convert_element_type3A_4, %convert_element_type3A_694, %dot_general3A_695 {dimension_numbers = #tpu.dot_dimension_numbers<[1], [1], [0], [0], [0, 0, 1, 0], [], []>, transpose_lhs_hint = false} : vector<1024x64xbf16>, vector<500x64xbf16>, vector<1024x500xf32> -> vector<1024x500xf32>
    %mul3A_697 = arith.constant 2.000000e+01 : f32
    %mul3A_698 = vector.broadcast %mul3A_697 : f32 to vector<1024x500xf32>
    %mul3A_699 = arith.mulf %dot_general3A_696, %mul3A_698 : vector<1024x500xf32>
    %convert_element_type3A_700 = arith.truncf %get3A_693 : vector<500x64xf32> to vector<500x64xbf16>
    %dot_general3A_701 = arith.constant dense<0.000000e+00> : vector<1024x500xf32>
    %dot_general3A_702 = tpu.matmul %convert_element_type3A_4, %convert_element_type3A_700, %dot_general3A_701 {dimension_numbers = #tpu.dot_dimension_numbers<[1], [1], [0], [0], [0, 0, 1, 0], [], []>, transpose_lhs_hint = false} : vector<1024x64xbf16>, vector<500x64xbf16>, vector<1024x500xf32> -> vector<1024x500xf32>
    %mul3A_703 = arith.constant 2.000000e+01 : f32
    %mul3A_704 = vector.broadcast %mul3A_703 : f32 to vector<1024x500xf32>
    %mul3A_705 = arith.mulf %dot_general3A_702, %mul3A_704 : vector<1024x500xf32>
    %get3A_706 = arith.constant 0 : index
    %get3A_707 = arith.constant 0 : index
    %get3A_708 = vector.load %arg8[%get3A_706, %get3A_707] : memref<1024x1xf32, #tpu.memory_space<vmem>>, vector<1024x1xf32>
    %reduce_max3A_709 = arith.constant dense<0xFF800000> : vector<1024xf32>
    %reduce_max3A_710 = vector.multi_reduction <maximumf>, %mul3A_699, %reduce_max3A_709 [1] : vector<1024x500xf32> to vector<1024xf32>
    %broadcast_in_dim3A_711 = vector.shape_cast %reduce_max3A_710 : vector<1024xf32> to vector<1024x1xf32>
    %max3A_712 = arith.maximumf %get3A_708, %broadcast_in_dim3A_711 : vector<1024x1xf32>
    %get3A_713 = arith.constant 0 : index
    %get3A_714 = arith.constant 0 : index
    %get3A_715 = vector.load %arg9[%get3A_713, %get3A_714] : memref<1024x1xf32, #tpu.memory_space<vmem>>, vector<1024x1xf32>
    %sub3A_716 = arith.subf %get3A_708, %max3A_712 : vector<1024x1xf32>
    %exp3A_717 = math.exp %sub3A_716 : vector<1024x1xf32>
    %mul3A_718 = arith.mulf %get3A_715, %exp3A_717 : vector<1024x1xf32>
    %sub3A_719 = vector.broadcast %max3A_712 : vector<1024x1xf32> to vector<1024x500xf32>
    %sub3A_720 = arith.subf %mul3A_699, %sub3A_719 : vector<1024x500xf32>
    %exp3A_721 = math.exp %sub3A_720 : vector<1024x500xf32>
    %reduce_sum3A_722 = arith.constant dense<0.000000e+00> : vector<1024xf32>
    %reduce_sum3A_723 = vector.multi_reduction <add>, %exp3A_721, %reduce_sum3A_722 [1] : vector<1024x500xf32> to vector<1024xf32>
    %broadcast_in_dim3A_724 = vector.shape_cast %reduce_sum3A_723 : vector<1024xf32> to vector<1024x1xf32>
    %add3A_725 = arith.addf %mul3A_718, %broadcast_in_dim3A_724 : vector<1024x1xf32>
    %swap3A_726 = arith.constant 0 : index
    %swap3A_727 = arith.constant 0 : index
    %swap3A_728 = vector.load %arg9[%swap3A_726, %swap3A_727] : memref<1024x1xf32, #tpu.memory_space<vmem>>, vector<1024x1xf32>
    tpu.vector_store %arg9[%swap3A_726, %swap3A_727], %add3A_725 {strides = array<i32>} : memref<1024x1xf32, #tpu.memory_space<vmem>>, vector<1024x1xf32>,
    %swap3A_729 = arith.constant 0 : index
    %swap3A_730 = arith.constant 0 : index
    %swap3A_731 = vector.load %arg8[%swap3A_729, %swap3A_730] : memref<1024x1xf32, #tpu.memory_space<vmem>>, vector<1024x1xf32>
    tpu.vector_store %arg8[%swap3A_729, %swap3A_730], %max3A_712 {strides = array<i32>} : memref<1024x1xf32, #tpu.memory_space<vmem>>, vector<1024x1xf32>,
    %get3A_732 = arith.constant 0 : index
    %get3A_733 = arith.constant 0 : index
    %get3A_734 = vector.load %arg10[%get3A_732, %get3A_733] : memref<1024x1xf32, #tpu.memory_space<vmem>>, vector<1024x1xf32>
    %reduce_max3A_735 = arith.constant dense<0xFF800000> : vector<1024xf32>
    %reduce_max3A_736 = vector.multi_reduction <maximumf>, %mul3A_705, %reduce_max3A_735 [1] : vector<1024x500xf32> to vector<1024xf32>
    %broadcast_in_dim3A_737 = vector.shape_cast %reduce_max3A_736 : vector<1024xf32> to vector<1024x1xf32>
    %max3A_738 = arith.maximumf %get3A_734, %broadcast_in_dim3A_737 : vector<1024x1xf32>
    %get3A_739 = arith.constant 0 : index
    %get3A_740 = arith.constant 0 : index
    %get3A_741 = vector.load %arg11[%get3A_739, %get3A_740] : memref<1024x1xf32, #tpu.memory_space<vmem>>, vector<1024x1xf32>
    %sub3A_742 = arith.subf %get3A_734, %max3A_738 : vector<1024x1xf32>
    %exp3A_743 = math.exp %sub3A_742 : vector<1024x1xf32>
    %mul3A_744 = arith.mulf %get3A_741, %exp3A_743 : vector<1024x1xf32>
    %sub3A_745 = vector.broadcast %max3A_738 : vector<1024x1xf32> to vector<1024x500xf32>
    %sub3A_746 = arith.subf %mul3A_705, %sub3A_745 : vector<1024x500xf32>
    %exp3A_747 = math.exp %sub3A_746 : vector<1024x500xf32>
    %reduce_sum3A_748 = arith.constant dense<0.000000e+00> : vector<1024xf32>
    %reduce_sum3A_749 = vector.multi_reduction <add>, %exp3A_747, %reduce_sum3A_748 [1] : vector<1024x500xf32> to vector<1024xf32>
    %broadcast_in_dim3A_750 = vector.shape_cast %reduce_sum3A_749 : vector<1024xf32> to vector<1024x1xf32>
    %add3A_751 = arith.addf %mul3A_744, %broadcast_in_dim3A_750 : vector<1024x1xf32>
    %swap3A_752 = arith.constant 0 : index
    %swap3A_753 = arith.constant 0 : index
    %swap3A_754 = vector.load %arg11[%swap3A_752, %swap3A_753] : memref<1024x1xf32, #tpu.memory_space<vmem>>, vector<1024x1xf32>
    tpu.vector_store %arg11[%swap3A_752, %swap3A_753], %add3A_751 {strides = array<i32>} : memref<1024x1xf32, #tpu.memory_space<vmem>>, vector<1024x1xf32>,
    %swap3A_755 = arith.constant 0 : index
    %swap3A_756 = arith.constant 0 : index
    %swap3A_757 = vector.load %arg10[%swap3A_755, %swap3A_756] : memref<1024x1xf32, #tpu.memory_space<vmem>>, vector<1024x1xf32>
    tpu.vector_store %arg10[%swap3A_755, %swap3A_756], %max3A_738 {strides = array<i32>} : memref<1024x1xf32, #tpu.memory_space<vmem>>, vector<1024x1xf32>,
    %sub3A_758 = arith.subf %mul3A_699, %mul3A_705 : vector<1024x500xf32>
    %abs3A_759 = math.absf %sub3A_758 : vector<1024x500xf32>
    %lt3A_760 = arith.constant 1.000000e+00 : f32
    %lt3A_761 = vector.broadcast %lt3A_760 : f32 to vector<1024x500xf32>
    %lt3A_762 = arith.cmpf olt, %abs3A_759, %lt3A_761 : vector<1024x500xf32>
    %mul3A_763 = arith.constant 5.000000e-01 : f32
    %mul3A_764 = vector.broadcast %mul3A_763 : f32 to vector<1024x500xf32>
    %mul3A_765 = arith.mulf %mul3A_764, %sub3A_758 : vector<1024x500xf32>
    %mul3A_766 = arith.mulf %mul3A_765, %sub3A_758 : vector<1024x500xf32>
    %sub3A_767 = arith.constant 5.000000e-01 : f32
    %sub3A_768 = vector.broadcast %sub3A_767 : f32 to vector<1024x500xf32>
    %sub3A_769 = arith.subf %abs3A_759, %sub3A_768 : vector<1024x500xf32>
    %select_n3A_770 = arith.select %lt3A_762, %mul3A_766, %sub3A_769 : vector<1024x500xi1>, vector<1024x500xf32>
    %get3A_771 = arith.constant 0 : index
    %get3A_772 = arith.constant 0 : index
    %get3A_773 = vector.load %arg14[%get3A_771, %get3A_772] : memref<1x1xf32, #tpu.memory_space<vmem>>, vector<1x1xf32>
    %reduce_sum3A_774 = vector.shape_cast %select_n3A_770 : vector<1024x500xf32> to vector<1x1024x500xf32>
    %reduce_sum3A_775 = arith.constant dense<0.000000e+00> : vector<1xf32>
    %reduce_sum3A_776 = vector.multi_reduction <add>, %reduce_sum3A_774, %reduce_sum3A_775 [1, 2] : vector<1x1024x500xf32> to vector<1xf32>
    %reduce_sum3A_777 = vector.shape_cast %reduce_sum3A_776 : vector<1xf32> to vector<1x1x1xf32>
    %reduce_sum3A_778 = vector.extract %reduce_sum3A_777[0, 0, 0] : f32 from vector<1x1x1xf32>
    %broadcast_in_dim3A_779 = vector.broadcast %reduce_sum3A_778 : f32 to vector<1x1xf32>
    %add3A_780 = arith.addf %get3A_773, %broadcast_in_dim3A_779 : vector<1x1xf32>
    %swap3A_781 = arith.constant 0 : index
    %swap3A_782 = arith.constant 0 : index
    %swap3A_783 = vector.load %arg14[%swap3A_781, %swap3A_782] : memref<1x1xf32, #tpu.memory_space<vmem>>, vector<1x1xf32>
    tpu.vector_store %arg14[%swap3A_781, %swap3A_782], %add3A_780 {strides = array<i32>} : memref<1x1xf32, #tpu.memory_space<vmem>>, vector<1x1xf32>,
    %get3A_784 = arith.constant 0 : index
    %get3A_785 = arith.constant 0 : index
    %get3A_786 = vector.load %arg12[%get3A_784, %get3A_785] : memref<1x64xf32, #tpu.memory_space<vmem>>, vector<1x64xf32>
    %reduce_sum3A_787 = arith.constant dense<0.000000e+00> : vector<64xf32>
    %reduce_sum3A_788 = vector.multi_reduction <add>, %get3A_690, %reduce_sum3A_787 [0] : vector<500x64xf32> to vector<64xf32>
    %broadcast_in_dim3A_789 = vector.shape_cast %reduce_sum3A_788 : vector<64xf32> to vector<1x64xf32>
    %add3A_790 = arith.addf %get3A_786, %broadcast_in_dim3A_789 : vector<1x64xf32>
    %swap3A_791 = arith.constant 0 : index
    %swap3A_792 = arith.constant 0 : index
    %swap3A_793 = vector.load %arg12[%swap3A_791, %swap3A_792] : memref<1x64xf32, #tpu.memory_space<vmem>>, vector<1x64xf32>
    tpu.vector_store %arg12[%swap3A_791, %swap3A_792], %add3A_790 {strides = array<i32>} : memref<1x64xf32, #tpu.memory_space<vmem>>, vector<1x64xf32>,
    %get3A_794 = arith.constant 0 : index
    %get3A_795 = arith.constant 0 : index
    %get3A_796 = vector.load %arg13[%get3A_794, %get3A_795] : memref<1x64xf32, #tpu.memory_space<vmem>>, vector<1x64xf32>
    %reduce_sum3A_797 = arith.constant dense<0.000000e+00> : vector<64xf32>
    %reduce_sum3A_798 = vector.multi_reduction <add>, %get3A_693, %reduce_sum3A_797 [0] : vector<500x64xf32> to vector<64xf32>
    %broadcast_in_dim3A_799 = vector.shape_cast %reduce_sum3A_798 : vector<64xf32> to vector<1x64xf32>
    %add3A_800 = arith.addf %get3A_796, %broadcast_in_dim3A_799 : vector<1x64xf32>
    %swap3A_801 = arith.constant 0 : index
    %swap3A_802 = arith.constant 0 : index
    %swap3A_803 = vector.load %arg13[%swap3A_801, %swap3A_802] : memref<1x64xf32, #tpu.memory_space<vmem>>, vector<1x64xf32>
    tpu.vector_store %arg13[%swap3A_801, %swap3A_802], %add3A_800 {strides = array<i32>} : memref<1x64xf32, #tpu.memory_space<vmem>>, vector<1x64xf32>,
    %get3A_804 = arith.constant 3500 : index
    %get3A_805 = arith.constant 0 : index
    %get3A_806 = vector.load %arg2[%get3A_804, %get3A_805] : memref<4000x64xf32, #tpu.memory_space<vmem>>, vector<500x64xf32>
    %get3A_807 = arith.constant 3500 : index
    %get3A_808 = arith.constant 0 : index
    %get3A_809 = vector.load %arg3[%get3A_807, %get3A_808] : memref<4000x64xf32, #tpu.memory_space<vmem>>, vector<500x64xf32>
    %convert_element_type3A_810 = arith.truncf %get3A_806 : vector<500x64xf32> to vector<500x64xbf16>
    %dot_general3A_811 = arith.constant dense<0.000000e+00> : vector<1024x500xf32>
    %dot_general3A_812 = tpu.matmul %convert_element_type3A_4, %convert_element_type3A_810, %dot_general3A_811 {dimension_numbers = #tpu.dot_dimension_numbers<[1], [1], [0], [0], [0, 0, 1, 0], [], []>, transpose_lhs_hint = false} : vector<1024x64xbf16>, vector<500x64xbf16>, vector<1024x500xf32> -> vector<1024x500xf32>
    %mul3A_813 = arith.constant 2.000000e+01 : f32
    %mul3A_814 = vector.broadcast %mul3A_813 : f32 to vector<1024x500xf32>
    %mul3A_815 = arith.mulf %dot_general3A_812, %mul3A_814 : vector<1024x500xf32>
    %convert_element_type3A_816 = arith.truncf %get3A_809 : vector<500x64xf32> to vector<500x64xbf16>
    %dot_general3A_817 = arith.constant dense<0.000000e+00> : vector<1024x500xf32>
    %dot_general3A_818 = tpu.matmul %convert_element_type3A_4, %convert_element_type3A_816, %dot_general3A_817 {dimension_numbers = #tpu.dot_dimension_numbers<[1], [1], [0], [0], [0, 0, 1, 0], [], []>, transpose_lhs_hint = false} : vector<1024x64xbf16>, vector<500x64xbf16>, vector<1024x500xf32> -> vector<1024x500xf32>
    %mul3A_819 = arith.constant 2.000000e+01 : f32
    %mul3A_820 = vector.broadcast %mul3A_819 : f32 to vector<1024x500xf32>
    %mul3A_821 = arith.mulf %dot_general3A_818, %mul3A_820 : vector<1024x500xf32>
    %get3A_822 = arith.constant 0 : index
    %get3A_823 = arith.constant 0 : index
    %get3A_824 = vector.load %arg8[%get3A_822, %get3A_823] : memref<1024x1xf32, #tpu.memory_space<vmem>>, vector<1024x1xf32>
    %reduce_max3A_825 = arith.constant dense<0xFF800000> : vector<1024xf32>
    %reduce_max3A_826 = vector.multi_reduction <maximumf>, %mul3A_815, %reduce_max3A_825 [1] : vector<1024x500xf32> to vector<1024xf32>
    %broadcast_in_dim3A_827 = vector.shape_cast %reduce_max3A_826 : vector<1024xf32> to vector<1024x1xf32>
    %max3A_828 = arith.maximumf %get3A_824, %broadcast_in_dim3A_827 : vector<1024x1xf32>
    %get3A_829 = arith.constant 0 : index
    %get3A_830 = arith.constant 0 : index
    %get3A_831 = vector.load %arg9[%get3A_829, %get3A_830] : memref<1024x1xf32, #tpu.memory_space<vmem>>, vector<1024x1xf32>
    %sub3A_832 = arith.subf %get3A_824, %max3A_828 : vector<1024x1xf32>
    %exp3A_833 = math.exp %sub3A_832 : vector<1024x1xf32>
    %mul3A_834 = arith.mulf %get3A_831, %exp3A_833 : vector<1024x1xf32>
    %sub3A_835 = vector.broadcast %max3A_828 : vector<1024x1xf32> to vector<1024x500xf32>
    %sub3A_836 = arith.subf %mul3A_815, %sub3A_835 : vector<1024x500xf32>
    %exp3A_837 = math.exp %sub3A_836 : vector<1024x500xf32>
    %reduce_sum3A_838 = arith.constant dense<0.000000e+00> : vector<1024xf32>
    %reduce_sum3A_839 = vector.multi_reduction <add>, %exp3A_837, %reduce_sum3A_838 [1] : vector<1024x500xf32> to vector<1024xf32>
    %broadcast_in_dim3A_840 = vector.shape_cast %reduce_sum3A_839 : vector<1024xf32> to vector<1024x1xf32>
    %add3A_841 = arith.addf %mul3A_834, %broadcast_in_dim3A_840 : vector<1024x1xf32>
    %swap3A_842 = arith.constant 0 : index
    %swap3A_843 = arith.constant 0 : index
    %swap3A_844 = vector.load %arg9[%swap3A_842, %swap3A_843] : memref<1024x1xf32, #tpu.memory_space<vmem>>, vector<1024x1xf32>
    tpu.vector_store %arg9[%swap3A_842, %swap3A_843], %add3A_841 {strides = array<i32>} : memref<1024x1xf32, #tpu.memory_space<vmem>>, vector<1024x1xf32>,
    %swap3A_845 = arith.constant 0 : index
    %swap3A_846 = arith.constant 0 : index
    %swap3A_847 = vector.load %arg8[%swap3A_845, %swap3A_846] : memref<1024x1xf32, #tpu.memory_space<vmem>>, vector<1024x1xf32>
    tpu.vector_store %arg8[%swap3A_845, %swap3A_846], %max3A_828 {strides = array<i32>} : memref<1024x1xf32, #tpu.memory_space<vmem>>, vector<1024x1xf32>,
    %get3A_848 = arith.constant 0 : index
    %get3A_849 = arith.constant 0 : index
    %get3A_850 = vector.load %arg10[%get3A_848, %get3A_849] : memref<1024x1xf32, #tpu.memory_space<vmem>>, vector<1024x1xf32>
    %reduce_max3A_851 = arith.constant dense<0xFF800000> : vector<1024xf32>
    %reduce_max3A_852 = vector.multi_reduction <maximumf>, %mul3A_821, %reduce_max3A_851 [1] : vector<1024x500xf32> to vector<1024xf32>
    %broadcast_in_dim3A_853 = vector.shape_cast %reduce_max3A_852 : vector<1024xf32> to vector<1024x1xf32>
    %max3A_854 = arith.maximumf %get3A_850, %broadcast_in_dim3A_853 : vector<1024x1xf32>
    %get3A_855 = arith.constant 0 : index
    %get3A_856 = arith.constant 0 : index
    %get3A_857 = vector.load %arg11[%get3A_855, %get3A_856] : memref<1024x1xf32, #tpu.memory_space<vmem>>, vector<1024x1xf32>
    %sub3A_858 = arith.subf %get3A_850, %max3A_854 : vector<1024x1xf32>
    %exp3A_859 = math.exp %sub3A_858 : vector<1024x1xf32>
    %mul3A_860 = arith.mulf %get3A_857, %exp3A_859 : vector<1024x1xf32>
    %sub3A_861 = vector.broadcast %max3A_854 : vector<1024x1xf32> to vector<1024x500xf32>
    %sub3A_862 = arith.subf %mul3A_821, %sub3A_861 : vector<1024x500xf32>
    %exp3A_863 = math.exp %sub3A_862 : vector<1024x500xf32>
    %reduce_sum3A_864 = arith.constant dense<0.000000e+00> : vector<1024xf32>
    %reduce_sum3A_865 = vector.multi_reduction <add>, %exp3A_863, %reduce_sum3A_864 [1] : vector<1024x500xf32> to vector<1024xf32>
    %broadcast_in_dim3A_866 = vector.shape_cast %reduce_sum3A_865 : vector<1024xf32> to vector<1024x1xf32>
    %add3A_867 = arith.addf %mul3A_860, %broadcast_in_dim3A_866 : vector<1024x1xf32>
    %swap3A_868 = arith.constant 0 : index
    %swap3A_869 = arith.constant 0 : index
    %swap3A_870 = vector.load %arg11[%swap3A_868, %swap3A_869] : memref<1024x1xf32, #tpu.memory_space<vmem>>, vector<1024x1xf32>
    tpu.vector_store %arg11[%swap3A_868, %swap3A_869], %add3A_867 {strides = array<i32>} : memref<1024x1xf32, #tpu.memory_space<vmem>>, vector<1024x1xf32>,
    %swap3A_871 = arith.constant 0 : index
    %swap3A_872 = arith.constant 0 : index
    %swap3A_873 = vector.load %arg10[%swap3A_871, %swap3A_872] : memref<1024x1xf32, #tpu.memory_space<vmem>>, vector<1024x1xf32>
    tpu.vector_store %arg10[%swap3A_871, %swap3A_872], %max3A_854 {strides = array<i32>} : memref<1024x1xf32, #tpu.memory_space<vmem>>, vector<1024x1xf32>,
    %sub3A_874 = arith.subf %mul3A_815, %mul3A_821 : vector<1024x500xf32>
    %abs3A_875 = math.absf %sub3A_874 : vector<1024x500xf32>
    %lt3A_876 = arith.constant 1.000000e+00 : f32
    %lt3A_877 = vector.broadcast %lt3A_876 : f32 to vector<1024x500xf32>
    %lt3A_878 = arith.cmpf olt, %abs3A_875, %lt3A_877 : vector<1024x500xf32>
    %mul3A_879 = arith.constant 5.000000e-01 : f32
    %mul3A_880 = vector.broadcast %mul3A_879 : f32 to vector<1024x500xf32>
    %mul3A_881 = arith.mulf %mul3A_880, %sub3A_874 : vector<1024x500xf32>
    %mul3A_882 = arith.mulf %mul3A_881, %sub3A_874 : vector<1024x500xf32>
    %sub3A_883 = arith.constant 5.000000e-01 : f32
    %sub3A_884 = vector.broadcast %sub3A_883 : f32 to vector<1024x500xf32>
    %sub3A_885 = arith.subf %abs3A_875, %sub3A_884 : vector<1024x500xf32>
    %select_n3A_886 = arith.select %lt3A_878, %mul3A_882, %sub3A_885 : vector<1024x500xi1>, vector<1024x500xf32>
    %get3A_887 = arith.constant 0 : index
    %get3A_888 = arith.constant 0 : index
    %get3A_889 = vector.load %arg14[%get3A_887, %get3A_888] : memref<1x1xf32, #tpu.memory_space<vmem>>, vector<1x1xf32>
    %reduce_sum3A_890 = vector.shape_cast %select_n3A_886 : vector<1024x500xf32> to vector<1x1024x500xf32>
    %reduce_sum3A_891 = arith.constant dense<0.000000e+00> : vector<1xf32>
    %reduce_sum3A_892 = vector.multi_reduction <add>, %reduce_sum3A_890, %reduce_sum3A_891 [1, 2] : vector<1x1024x500xf32> to vector<1xf32>
    %reduce_sum3A_893 = vector.shape_cast %reduce_sum3A_892 : vector<1xf32> to vector<1x1x1xf32>
    %reduce_sum3A_894 = vector.extract %reduce_sum3A_893[0, 0, 0] : f32 from vector<1x1x1xf32>
    %broadcast_in_dim3A_895 = vector.broadcast %reduce_sum3A_894 : f32 to vector<1x1xf32>
    %add3A_896 = arith.addf %get3A_889, %broadcast_in_dim3A_895 : vector<1x1xf32>
    %swap3A_897 = arith.constant 0 : index
    %swap3A_898 = arith.constant 0 : index
    %swap3A_899 = vector.load %arg14[%swap3A_897, %swap3A_898] : memref<1x1xf32, #tpu.memory_space<vmem>>, vector<1x1xf32>
    tpu.vector_store %arg14[%swap3A_897, %swap3A_898], %add3A_896 {strides = array<i32>} : memref<1x1xf32, #tpu.memory_space<vmem>>, vector<1x1xf32>,
    %get3A_900 = arith.constant 0 : index
    %get3A_901 = arith.constant 0 : index
    %get3A_902 = vector.load %arg12[%get3A_900, %get3A_901] : memref<1x64xf32, #tpu.memory_space<vmem>>, vector<1x64xf32>
    %reduce_sum3A_903 = arith.constant dense<0.000000e+00> : vector<64xf32>
    %reduce_sum3A_904 = vector.multi_reduction <add>, %get3A_806, %reduce_sum3A_903 [0] : vector<500x64xf32> to vector<64xf32>
    %broadcast_in_dim3A_905 = vector.shape_cast %reduce_sum3A_904 : vector<64xf32> to vector<1x64xf32>
    %add3A_906 = arith.addf %get3A_902, %broadcast_in_dim3A_905 : vector<1x64xf32>
    %swap3A_907 = arith.constant 0 : index
    %swap3A_908 = arith.constant 0 : index
    %swap3A_909 = vector.load %arg12[%swap3A_907, %swap3A_908] : memref<1x64xf32, #tpu.memory_space<vmem>>, vector<1x64xf32>
    tpu.vector_store %arg12[%swap3A_907, %swap3A_908], %add3A_906 {strides = array<i32>} : memref<1x64xf32, #tpu.memory_space<vmem>>, vector<1x64xf32>,
    %get3A_910 = arith.constant 0 : index
    %get3A_911 = arith.constant 0 : index
    %get3A_912 = vector.load %arg13[%get3A_910, %get3A_911] : memref<1x64xf32, #tpu.memory_space<vmem>>, vector<1x64xf32>
    %reduce_sum3A_913 = arith.constant dense<0.000000e+00> : vector<64xf32>
    %reduce_sum3A_914 = vector.multi_reduction <add>, %get3A_809, %reduce_sum3A_913 [0] : vector<500x64xf32> to vector<64xf32>
    %broadcast_in_dim3A_915 = vector.shape_cast %reduce_sum3A_914 : vector<64xf32> to vector<1x64xf32>
    %add3A_916 = arith.addf %get3A_912, %broadcast_in_dim3A_915 : vector<1x64xf32>
    %swap3A_917 = arith.constant 0 : index
    %swap3A_918 = arith.constant 0 : index
    %swap3A_919 = vector.load %arg13[%swap3A_917, %swap3A_918] : memref<1x64xf32, #tpu.memory_space<vmem>>, vector<1x64xf32>
    tpu.vector_store %arg13[%swap3A_917, %swap3A_918], %add3A_916 {strides = array<i32>} : memref<1x64xf32, #tpu.memory_space<vmem>>, vector<1x64xf32>,
    %eq3A_920 = arith.constant 24 : i32
    %eq3A_921 = arith.cmpi eq, %arg0, %eq3A_920 : i32
    %convert_element_type3A_922 = arith.extui %eq3A_921 : i1 to i32
    %cond3A_923 = arith.constant 0 : i32
    %cond3A_924 = arith.cmpi ne, %convert_element_type3A_922, %cond3A_923 : i32
    scf.if %cond3A_924 {
      %get3A_925 = arith.constant 0 : index
      %get3A_926 = arith.constant 0 : index
      %get3A_927 = vector.load %arg8[%get3A_925, %get3A_926] : memref<1024x1xf32, #tpu.memory_space<vmem>>, vector<1024x1xf32>
      %get3A_928 = arith.constant 0 : index
      %get3A_929 = arith.constant 0 : index
      %get3A_930 = vector.load %arg9[%get3A_928, %get3A_929] : memref<1024x1xf32, #tpu.memory_space<vmem>>, vector<1024x1xf32>
      %log3A = math.log %get3A_930 : vector<1024x1xf32>
      %add3A_931 = arith.addf %get3A_927, %log3A : vector<1024x1xf32>
      %get3A_932 = arith.constant 0 : index
      %get3A_933 = arith.constant 0 : index
      %get3A_934 = vector.load %arg10[%get3A_932, %get3A_933] : memref<1024x1xf32, #tpu.memory_space<vmem>>, vector<1024x1xf32>
      %get3A_935 = arith.constant 0 : index
      %get3A_936 = arith.constant 0 : index
      %get3A_937 = vector.load %arg11[%get3A_935, %get3A_936] : memref<1024x1xf32, #tpu.memory_space<vmem>>, vector<1024x1xf32>
      %log3A_938 = math.log %get3A_937 : vector<1024x1xf32>
      %add3A_939 = arith.addf %get3A_934, %log3A_938 : vector<1024x1xf32>
      %get3A_940 = arith.constant 0 : index
      %get3A_941 = arith.constant 0 : index
      %get3A_942 = vector.load %arg6[%get3A_940, %get3A_941] : memref<1024x1xi32, #tpu.memory_space<vmem>>, vector<1024x1xi32>
      %and3A = arith.constant 1 : i32
      %and3A_943 = vector.broadcast %and3A : i32 to vector<1024x1xi32>
      %and3A_944 = arith.andi %get3A_942, %and3A_943 : vector<1024x1xi32>
      %eq3A_945 = arith.constant 1 : i32
      %eq3A_946 = vector.broadcast %eq3A_945 : i32 to vector<1024x1xi32>
      %eq3A_947 = arith.cmpi eq, %and3A_944, %eq3A_946 : vector<1024x1xi32>
      %get3A_948 = arith.constant 0 : index
      %get3A_949 = arith.constant 0 : index
      %get3A_950 = vector.load %arg4[%get3A_948, %get3A_949] : memref<1024x128xf32, #tpu.memory_space<vmem>>, vector<1024x128xf32>
      %get3A_951 = arith.constant 0 : index
      %get3A_952 = arith.constant 0 : index
      %get3A_953 = vector.load %arg5[%get3A_951, %get3A_952] : memref<1024x128xf32, #tpu.memory_space<vmem>>, vector<1024x128xf32>
      %slice3A = vector.extract_strided_slice %get3A_950 {offsets = [0, 64], sizes = [1024, 64], strides = [1, 1]} : vector<1024x128xf32> to vector<1024x64xf32>
      %slice3A_954 = vector.extract_strided_slice %get3A_950 {offsets = [0, 0], sizes = [1024, 64], strides = [1, 1]} : vector<1024x128xf32> to vector<1024x64xf32>
      %broadcast_in_dim3A_955 = vector.shape_cast %eq3A_947 : vector<1024x1xi1> to vector<1024x1xi1>
      %broadcast_in_dim3A_956 = vector.broadcast %broadcast_in_dim3A_955 : vector<1024x1xi1> to vector<1024x64xi1>
      %select_n3A_957 = arith.select %broadcast_in_dim3A_956, %slice3A, %slice3A_954 : vector<1024x64xi1>, vector<1024x64xf32>
      %slice3A_958 = vector.extract_strided_slice %get3A_953 {offsets = [0, 64], sizes = [1024, 64], strides = [1, 1]} : vector<1024x128xf32> to vector<1024x64xf32>
      %slice3A_959 = vector.extract_strided_slice %get3A_953 {offsets = [0, 0], sizes = [1024, 64], strides = [1, 1]} : vector<1024x128xf32> to vector<1024x64xf32>
      %broadcast_in_dim3A_960 = vector.shape_cast %eq3A_947 : vector<1024x1xi1> to vector<1024x1xi1>
      %broadcast_in_dim3A_961 = vector.broadcast %broadcast_in_dim3A_960 : vector<1024x1xi1> to vector<1024x64xi1>
      %select_n3A_962 = arith.select %broadcast_in_dim3A_961, %slice3A_958, %slice3A_959 : vector<1024x64xi1>, vector<1024x64xf32>
      %mul3A_963 = arith.mulf %get3A_3, %select_n3A_957 : vector<1024x64xf32>
      %reduce_sum3A_964 = arith.constant dense<0.000000e+00> : vector<1024xf32>
      %reduce_sum3A_965 = vector.multi_reduction <add>, %mul3A_963, %reduce_sum3A_964 [1] : vector<1024x64xf32> to vector<1024xf32>
      %broadcast_in_dim3A_966 = vector.shape_cast %reduce_sum3A_965 : vector<1024xf32> to vector<1024x1xf32>
      %mul3A_967 = arith.constant 2.000000e+01 : f32
      %mul3A_968 = vector.broadcast %mul3A_967 : f32 to vector<1024x1xf32>
      %mul3A_969 = arith.mulf %mul3A_968, %broadcast_in_dim3A_966 : vector<1024x1xf32>
      %mul3A_970 = arith.mulf %get3A_3, %select_n3A_962 : vector<1024x64xf32>
      %reduce_sum3A_971 = arith.constant dense<0.000000e+00> : vector<1024xf32>
      %reduce_sum3A_972 = vector.multi_reduction <add>, %mul3A_970, %reduce_sum3A_971 [1] : vector<1024x64xf32> to vector<1024xf32>
      %broadcast_in_dim3A_973 = vector.shape_cast %reduce_sum3A_972 : vector<1024xf32> to vector<1024x1xf32>
      %mul3A_974 = arith.constant 2.000000e+01 : f32
      %mul3A_975 = vector.broadcast %mul3A_974 : f32 to vector<1024x1xf32>
      %mul3A_976 = arith.mulf %mul3A_975, %broadcast_in_dim3A_973 : vector<1024x1xf32>
      %get3A_977 = arith.constant 0 : index
      %get3A_978 = arith.constant 0 : index
      %get3A_979 = vector.load %arg12[%get3A_977, %get3A_978] : memref<1x64xf32, #tpu.memory_space<vmem>>, vector<1x64xf32>
      %mul3A_980 = vector.broadcast %get3A_979 : vector<1x64xf32> to vector<1024x64xf32>
      %mul3A_981 = arith.mulf %get3A_3, %mul3A_980 : vector<1024x64xf32>
      %reduce_sum3A_982 = arith.constant dense<0.000000e+00> : vector<1024xf32>
      %reduce_sum3A_983 = vector.multi_reduction <add>, %mul3A_981, %reduce_sum3A_982 [1] : vector<1024x64xf32> to vector<1024xf32>
      %broadcast_in_dim3A_984 = vector.shape_cast %reduce_sum3A_983 : vector<1024xf32> to vector<1024x1xf32>
      %mul3A_985 = arith.constant 2.000000e+01 : f32
      %mul3A_986 = vector.broadcast %mul3A_985 : f32 to vector<1024x1xf32>
      %mul3A_987 = arith.mulf %mul3A_986, %broadcast_in_dim3A_984 : vector<1024x1xf32>
      %get3A_988 = arith.constant 0 : index
      %get3A_989 = arith.constant 0 : index
      %get3A_990 = vector.load %arg13[%get3A_988, %get3A_989] : memref<1x64xf32, #tpu.memory_space<vmem>>, vector<1x64xf32>
      %mul3A_991 = vector.broadcast %get3A_990 : vector<1x64xf32> to vector<1024x64xf32>
      %mul3A_992 = arith.mulf %get3A_3, %mul3A_991 : vector<1024x64xf32>
      %reduce_sum3A_993 = arith.constant dense<0.000000e+00> : vector<1024xf32>
      %reduce_sum3A_994 = vector.multi_reduction <add>, %mul3A_992, %reduce_sum3A_993 [1] : vector<1024x64xf32> to vector<1024xf32>
      %broadcast_in_dim3A_995 = vector.shape_cast %reduce_sum3A_994 : vector<1024xf32> to vector<1024x1xf32>
      %mul3A_996 = arith.constant 2.000000e+01 : f32
      %mul3A_997 = vector.broadcast %mul3A_996 : f32 to vector<1024x1xf32>
      %mul3A_998 = arith.mulf %mul3A_997, %broadcast_in_dim3A_995 : vector<1024x1xf32>
      %mul3A_999 = arith.constant 0.899999976 : f32
      %mul3A_1000 = vector.broadcast %mul3A_999 : f32 to vector<1024x1xf32>
      %mul3A_1001 = arith.mulf %mul3A_1000, %mul3A_969 : vector<1024x1xf32>
      %sub3A_1002 = arith.subf %add3A_931, %mul3A_1001 : vector<1024x1xf32>
      %mul3A_1003 = arith.constant 1.000000e-01 : f32
      %mul3A_1004 = arith.constant 9.99999974E-6 : f32
      %mul3A_1005 = arith.mulf %mul3A_1003, %mul3A_1004 : f32
      %mul3A_1006 = vector.broadcast %mul3A_1005 : f32 to vector<1024x1xf32>
      %mul3A_1007 = arith.mulf %mul3A_1006, %mul3A_987 : vector<1024x1xf32>
      %sub3A_1008 = arith.subf %sub3A_1002, %mul3A_1007 : vector<1024x1xf32>
      %reduce_sum3A_1009 = vector.shape_cast %sub3A_1008 : vector<1024x1xf32> to vector<1x1024x1xf32>
      %reduce_sum3A_1010 = arith.constant dense<0.000000e+00> : vector<1xf32>
      %reduce_sum3A_1011 = vector.multi_reduction <add>, %reduce_sum3A_1009, %reduce_sum3A_1010 [1, 2] : vector<1x1024x1xf32> to vector<1xf32>
      %reduce_sum3A_1012 = vector.shape_cast %reduce_sum3A_1011 : vector<1xf32> to vector<1x1x1xf32>
      %reduce_sum3A_1013 = vector.extract %reduce_sum3A_1012[0, 0, 0] : f32 from vector<1x1x1xf32>
      %div3A = arith.constant 1.024000e+03 : f32
      %div3A_1014 = arith.divf %reduce_sum3A_1013, %div3A : f32
      %mul3A_1015 = arith.constant 0.899999976 : f32
      %mul3A_1016 = vector.broadcast %mul3A_1015 : f32 to vector<1024x1xf32>
      %mul3A_1017 = arith.mulf %mul3A_1016, %mul3A_976 : vector<1024x1xf32>
      %sub3A_1018 = arith.subf %add3A_939, %mul3A_1017 : vector<1024x1xf32>
      %mul3A_1019 = arith.constant 1.000000e-01 : f32
      %mul3A_1020 = arith.constant 9.99999974E-6 : f32
      %mul3A_1021 = arith.mulf %mul3A_1019, %mul3A_1020 : f32
      %mul3A_1022 = vector.broadcast %mul3A_1021 : f32 to vector<1024x1xf32>
      %mul3A_1023 = arith.mulf %mul3A_1022, %mul3A_998 : vector<1024x1xf32>
      %sub3A_1024 = arith.subf %sub3A_1018, %mul3A_1023 : vector<1024x1xf32>
      %reduce_sum3A_1025 = vector.shape_cast %sub3A_1024 : vector<1024x1xf32> to vector<1x1024x1xf32>
      %reduce_sum3A_1026 = arith.constant dense<0.000000e+00> : vector<1xf32>
      %reduce_sum3A_1027 = vector.multi_reduction <add>, %reduce_sum3A_1025, %reduce_sum3A_1026 [1, 2] : vector<1x1024x1xf32> to vector<1xf32>
      %reduce_sum3A_1028 = vector.shape_cast %reduce_sum3A_1027 : vector<1xf32> to vector<1x1x1xf32>
      %reduce_sum3A_1029 = vector.extract %reduce_sum3A_1028[0, 0, 0] : f32 from vector<1x1x1xf32>
      %div3A_1030 = arith.constant 1.024000e+03 : f32
      %div3A_1031 = arith.divf %reduce_sum3A_1029, %div3A_1030 : f32
      %get3A_1032 = arith.constant 0 : index
      %get3A_1033 = arith.constant 0 : index
      %get3A_1034 = vector.load %arg14[%get3A_1032, %get3A_1033] : memref<1x1xf32, #tpu.memory_space<vmem>>, vector<1x1xf32>
      %reduce_sum3A_1035 = vector.shape_cast %get3A_1034 : vector<1x1xf32> to vector<1x1x1xf32>
      %reduce_sum3A_1036 = arith.constant dense<0.000000e+00> : vector<1xf32>
      %reduce_sum3A_1037 = vector.multi_reduction <add>, %reduce_sum3A_1035, %reduce_sum3A_1036 [1, 2] : vector<1x1x1xf32> to vector<1xf32>
      %reduce_sum3A_1038 = vector.shape_cast %reduce_sum3A_1037 : vector<1xf32> to vector<1x1x1xf32>
      %reduce_sum3A_1039 = vector.extract %reduce_sum3A_1038[0, 0, 0] : f32 from vector<1x1x1xf32>
      %div3A_1040 = arith.constant 1.024000e+08 : f32
      %div3A_1041 = arith.divf %reduce_sum3A_1039, %div3A_1040 : f32
      %add3A_1042 = arith.addf %div3A_1014, %div3A_1031 : f32
      %mul3A_1043 = arith.constant 2.500000e-01 : f32
      %mul3A_1044 = arith.mulf %mul3A_1043, %div3A_1041 : f32
      %add3A_1045 = arith.addf %add3A_1042, %mul3A_1044 : f32
      %broadcast_in_dim3A_1046 = vector.broadcast %add3A_1045 : f32 to vector<1x1xf32>
      %swap3A_1047 = arith.constant 0 : index
      %swap3A_1048 = arith.constant 0 : index
      %swap3A_1049 = vector.load %arg7[%swap3A_1047, %swap3A_1048] : memref<1x1xf32, #tpu.memory_space<vmem>>, vector<1x1xf32>
      tpu.vector_store %arg7[%swap3A_1047, %swap3A_1048], %broadcast_in_dim3A_1046 {strides = array<i32>} : memref<1x1xf32, #tpu.memory_space<vmem>>, vector<1x1xf32>,
    } else {
    }
    return
  }
  func.func @transform_0(%arg0: i32) -> (i32, i32) {
    %c0_i32 = arith.constant 0 : i32
    %c0_i32_0 = arith.constant 0 : i32
    %c0_i32_1 = arith.constant 0 : i32
    return %c0_i32, %c0_i32_0 : i32, i32
  }
  func.func @transform_1(%arg0: i32) -> (i32, i32) {
    %c0_i32 = arith.constant 0 : i32
    %c0_i32_0 = arith.constant 0 : i32
    return %arg0, %c0_i32 : i32, i32
  }
  func.func @transform_2(%arg0: i32) -> (i32, i32) {
    %c0_i32 = arith.constant 0 : i32
    %c0_i32_0 = arith.constant 0 : i32
    return %arg0, %c0_i32 : i32, i32
  }
  func.func @transform_3(%arg0: i32) -> (i32, i32) {
    %c0_i32 = arith.constant 0 : i32
    %c0_i32_0 = arith.constant 0 : i32
    %c0_i32_1 = arith.constant 0 : i32
    return %c0_i32, %c0_i32_0 : i32, i32
  }
  func.func @transform_4(%arg0: i32) -> (i32, i32) {
    %c0_i32 = arith.constant 0 : i32
    %c0_i32_0 = arith.constant 0 : i32
    %c0_i32_1 = arith.constant 0 : i32
    return %c0_i32, %c0_i32_0 : i32, i32
  }
  func.func @transform_5(%arg0: i32) -> (i32, i32) {
    %c0_i32 = arith.constant 0 : i32
    %c0_i32_0 = arith.constant 0 : i32
    %c0_i32_1 = arith.constant 0 : i32
    return %c0_i32, %c0_i32_0 : i32, i32
  }
  func.func @transform_6(%arg0: i32) -> (i32, i32) {
    %c0_i32 = arith.constant 0 : i32
    %c0_i32_0 = arith.constant 0 : i32
    %c0_i32_1 = arith.constant 0 : i32
    return %c0_i32, %c0_i32_0 : i32, i32
  }
}

</mosaic_0001>

<sc_bundles>
// kernel: kernel.4.cloned.1.call-start
scs
__scs_entry_jumppad:
0x0: {  	(pc) =	sbr.rel $0x88, $3  }
0x1: {  	(tag) =	ssettag $0x0;
	lr =	simm.s32 $0x1  }
0x2: {  	[smem:$0x3F9D] =	sst lr;
	_ =	strace $0xD0000000  }
0x3: {  	_ = 	snop  }
0x4: {  	_ = 	snop  }
0x5: {  	_ = 	snop  }
0x6: {  	_ = 	snop  }
0x7: {  	_ = 	snop  }
__scs_overlays_trampoline_lowered:
0x8: {  	[smem:$0x3FAC] =	sst s0  }
0x9: {  	[smem:$0x3FAD] =	sst s1  }
0xa: {  	[smem:$0x3FAE] =	sst s2  }
0xb: {  	[smem:$0x3FAF] =	sst s3  }
0xc: {  	[smem:$0x3FB0] =	sst s4  }
0xd: {  	[smem:$0x3FB1] =	sst s5  }
0xe: {  	[smem:$0x3FB2] =	sst s6  }
0xf: {  	[smem:$0x3FB3] =	sst s7  }
0x10: {  	[smem:$0x3FB4] =	sst s8  }
0x11: {  	[smem:$0x3FB5] =	sst s9;
	s0 =	simm.s32 @!p0 $0x0  }
0x12: {  	s1 =	sld [smem:$0x3F9B];
	s0 =	simm.s32 @p0 $0x1  }
0x13: {  	[smem:$0x3FB6] =	sst s0;
	s0 =	simm.s32 @!p1 $0x0  }
0x14: {  	s2 =	sld [smem:$0x3F9A];
	s0 =	simm.s32 @p1 $0x1  }
0x15: {  	[smem:$0x3FB7] =	sst s0;
	s0 =	simm.s32 @!p2 $0x0  }
0x16: {  	s3 =	sld [smem:$0x3FDB];
	s0 =	simm.s32 @p2 $0x1  }
0x17: {  	s4 =	simm.s32 $0x1BF5;
	[smem:$0x3FB9] =	sst s0  }
0x18: {  	s0 =	sld [smem:$0x3F9C];
	_ =	swait.ge [sflag:s4], $0x0  }
0x19: {  	s7 =	sld [smem:$0x3F9D]  }
0x1a: {  	s8 =	sadd.s32 $0xFFFFE003, lr  }
0x1b: {  	s9 =	sadd.s32 $0xFFFFFEF7, lr;
	s5 =	simm.s32 $0xFFFFFFFF;
	p2 =	slt.u32 s8, $0xFFFFF086  }
0x1c: {  	p1 =	slt.u32 s9, $0xF7A;
	s5 =	simm.s32 @!p2 $0x0  }
0x1d: {  	s5 =	simm.s32 @p1 $0x1;
	p0 =	seq.s32 s7, s2  }
0x1e: {  	s7 =	smul.u32 @!p0 $0xF7A, s2;
	p2 =	seq.s32 @!p0 s5, $0x0  }
0x1f: {  	s9 =	smul.u32 $0xF7A, s1;
	s8 =	simm.s32 @!p0 $0x1BF5;
	p2 =	por !p2, p0  }
0x20: {  	[sflag:s8] =	ssyncset.s32 @!p0 $0xFFFFF086;
	s6 =	sadd.s32 @!p0 s3, s7;
	s7 =	simm.s32 @!p0 $0x108  }
0x21: {  	s3 =	sadd.s32 s3, s9;
	s6 =	sadd.s32 @!p0 $0x88, s6;
	s7 =	simm.s32 @p2 $0x1082  }
0x22: {  	[simem:s7], [sflag:s8] =	dma.local @!p0 [hbm:s6], $0xF7A  }
0x23: {  	s9 =	sor.u32 $0xD0000000, s2;
	s6 =	simm.s32 $0x108;
	_ =	swait.ge @!p0 [sflag:s8], $0x0  }
0x24: {  	s3 =	sadd.s32 $0x88, s3;
	s6 =	simm.s32 @!p1 $0x1082;
	[sflag:s4] =	ssyncset.s32 $0xFFFFF086  }
0x25: {  	[simem:s6], [sflag:s4] =	dma.local [hbm:s3], $0xF7A  }
0x26: {  	[smem:$0x3F9D] =	sst s1;
	(tag) =	ssettag s2;
	_ =	strace s9  }
0x27: {  	s1 =	sld [smem:$0x3FAD]  }
0x28: {  	s2 =	sld [smem:$0x3FAE]  }
0x29: {  	s4 =	sld [smem:$0x3FB0]  }
0x2a: {  	p0 =	seq.s32 s5, $0x0;
	s5 =	sld [smem:$0x3FB1]  }
0x2b: {  	s6 =	sld [smem:$0x3FB2]  }
0x2c: {  	s7 =	sld [smem:$0x3FB3]  }
0x2d: {  	s3 =	simm.s32 $0x108;
	s8 =	sld [smem:$0x3FB4]  }
0x2e: {  	s3 =	simm.s32 @!p0 $0x1082;
	s9 =	sld [smem:$0x3FB5]  }
0x2f: {  	lr =	sadd.s32 s0, s3;
	s0 =	sld [smem:$0x3FAC]  }
0x30: {  	s3 =	sld [smem:$0x3FAF]  }
0x31: {  	[smem:$0x3FB8] =	sst s10  }
0x32: {  	s10 =	sld [smem:$0x3FB6];
	_ =	sdelay $0x3  }
0x33: {  	p0 =	seq.s32 s10, $0x1;
	s10 =	sld [smem:$0x3FB8];
	_ =	sdelay $0x3  }
0x34: {  	[smem:$0x3FB8] =	sst s10  }
0x35: {  	s10 =	sld [smem:$0x3FB7];
	_ =	sdelay $0x3  }
0x36: {  	p1 =	seq.s32 s10, $0x1;
	s10 =	sld [smem:$0x3FB8];
	_ =	sdelay $0x3  }
0x37: {  	[smem:$0x3FB8] =	sst s10  }
0x38: {  	s10 =	sld [smem:$0x3FB9]  }
0x39: {  	_ = 	snop;
	(pc) =	sbr.ind lr, $3  }
0x3a: {  	_ = 	snop  }
0x3b: {  	_ = 	snop  }
0x3c: {  	p2 =	seq.s32 s10, $0x1;
	s10 =	sld [smem:$0x3FB8]  }
0x3d: {  	_ =	shalt  }
0x3e: {  	_ =	shalt  }
0x3f: {  	_ =	shalt  }
0x40: {  	_ =	shalt  }
0x41: {  	_ =	shalt  }
0x42: {  	_ =	shalt  }
0x43: {  	_ =	shalt  }
0x44: {  	_ =	shalt  }
0x45: {  	_ =	shalt  }
0x46: {  	_ =	shalt  }
0x47: {  	_ =	shalt  }
0x48: {  	_ =	shalt  }
0x49: {  	_ =	shalt  }
0x4a: {  	_ =	shalt  }
0x4b: {  	_ =	shalt  }
0x4c: {  	_ =	shalt  }
0x4d: {  	_ =	shalt  }
0x4e: {  	_ =	shalt  }
0x4f: {  	_ =	shalt  }
0x50: {  	_ =	shalt  }
0x51: {  	_ =	shalt  }
0x52: {  	_ =	shalt  }
0x53: {  	_ =	shalt  }
0x54: {  	_ =	shalt  }
0x55: {  	_ =	shalt  }
0x56: {  	_ =	shalt  }
0x57: {  	_ =	shalt  }
0x58: {  	_ =	shalt  }
0x59: {  	_ =	shalt  }
0x5a: {  	_ =	shalt  }
0x5b: {  	_ =	shalt  }
0x5c: {  	_ =	shalt  }
0x5d: {  	_ =	shalt  }
0x5e: {  	_ =	shalt  }
0x5f: {  	_ =	shalt  }
0x60: {  	_ =	shalt  }
0x61: {  	_ =	shalt  }
0x62: {  	_ =	shalt  }
0x63: {  	_ =	shalt  }
0x64: {  	_ =	shalt  }
0x65: {  	_ =	shalt  }
0x66: {  	_ =	shalt  }
0x67: {  	_ =	shalt  }
0x68: {  	_ =	shalt  }
0x69: {  	_ =	shalt  }
0x6a: {  	_ =	shalt  }
0x6b: {  	_ =	shalt  }
0x6c: {  	_ =	shalt  }
0x6d: {  	_ =	shalt  }
0x6e: {  	_ =	shalt  }
0x6f: {  	_ =	shalt  }
0x70: {  	_ =	shalt  }
0x71: {  	_ =	shalt  }
0x72: {  	_ =	shalt  }
0x73: {  	_ =	shalt  }
0x74: {  	_ =	shalt  }
0x75: {  	_ =	shalt  }
0x76: {  	_ =	shalt  }
0x77: {  	_ =	shalt  }
0x78: {  	_ =	shalt  }
0x79: {  	_ =	shalt  }
0x7a: {  	_ =	shalt  }
0x7b: {  	_ =	shalt  }
0x7c: {  	_ =	shalt  }
0x7d: {  	_ =	shalt  }
0x7e: {  	_ =	shalt  }
0x7f: {  	_ =	shalt  }
0x80: {  	_ =	shalt  }
0x81: {  	_ =	shalt  }
0x82: {  	_ =	shalt  }
0x83: {  	_ =	shalt  }
0x84: {  	_ =	shalt  }
0x85: {  	_ =	shalt  }
0x86: {  	_ =	shalt  }
0x87: {  	_ =	shalt  }
.Lfunc_end0:
.L_simem_size_0:
called_computation_lowered:
.L_overlay_start_0:
0x88: {  	s2 =	sld [smem:$0x3FD9]  }
0x89: {  	s3 =	sld [smem:$0x3FFE];
	_ =	sdelay $0x1  }
0x8a: {  	s1 =	srdreg.scid  }
0x8b: {  	s0 =	sand.u32 $0x1, s1  }
0x8c: {  	s17 =	sshll.u32 s0, $0xA;
	s2 =	sadd.s32 s3, s2  }
0x8d: {  	s2 =	sadd.s32 s2, s17  }
0x8e: {  	[smem:$0x3FC4] =	sst s2  }
0x8f: {  	_ = 	snop  }
0x90: {  	s2 =	sld [smem:$0x3FC8];
	(tm) =	ssettm $0x1  }
0x91: {  	s18 =	sld [smem:$0x3FFB];
	_ =	sdelay $0x3  }
0x92: {  	_ =	strace s18  }
0x93: {  	s3 =	sld [smem:$0x3FFC];
	_ =	sdelay $0x3  }
0x94: {  	_ =	strace s3  }
0x95: {  	s3 =	sld [smem:$0x3FFD];
	_ =	sdelay $0x3  }
0x96: {  	_ =	strace s3  }
0x97: {  	_ =	strace $0x8FFFFFFF  }
0x98: {  	s19 =	sld [smem:$0x3FDB];
	_ =	sdelay $0x1  }
0x99: {  	s4 =	simm.s32 $_scs_section_size  }
0x9a: {  	s5 =	simm.s32 $_size__tile_overlayer_lowered;
	s6 =	simm.s32 $_tile_overlayer_lowered  }
0x9b: {  	s22 =	simm.s32 $0x1BFF;
	s21 =	sshll.u32 s6, $0x1;
	s3 =	sadd.s32 s4, s19  }
0x9c: {  	s7 =	simm.s32 $0x0;
	s20 =	sshll.u32 s5, $0x1;
	s5 =	sadd.s32 s21, s3  }
0x9d: {  	[timem:s7], [sflag:s22] =	dma.local [hbm:s5], s20  }
0x9e: {  	_ =	swait.ge [sflag:s22], s20  }
0x9f: {  	s4 =	ssub.s32 $0x0, s20;
	[sflag:s22] =	ssyncset.done $0x0  }
0xa0: {  	[sflag:s22] =	ssyncadd.s32 s4;
	_ =	sdelay $0x1  }
0xa1: {  	s23 =	simm.s32 $0x1B8B  }
0xa2: {  	_ =	swait.ge [sflag:s23], $0x1  }
0xa3: {  	[sflag:s23] =	ssyncset.done $0x0  }
0xa4: {  	s25 =	simm.s32 $0x1B8E;
	s24 =	sld [smem:$0x3FFE];
	[sflag:s23] =	ssyncadd.s32 $0xFFFFFFFF  }
0xa5: {  	s26 =	simm.s32 $execute0_lowered;
	[smem:$0x3FD2] =	sst s25  }
0xa6: {  	s5 =	sshll.u32 s26, $0x1;
	_ =	strace $0x80000046;
	[dreg:$0x1] =	wrdreg $0xFFFFFFFF  }
0xa7: {  	s28 =	simm.s32 $_size_execute0_lowered;
	s3 =	sadd.s32 s3, s5;
	[dreg:$0x0] =	wrdreg $0x0  }
0xa8: {  	s5 =	sshll.u32 s28, $0x1;
	[dreg:$0x2] =	wrdreg s3  }
0xa9: {  	[dreg:$0x3] =	wrdreg s5  }
0xaa: {  	[dreg:$0x4] =	wrdreg $0xC0  }
0xab: {  	_ =	task [dreg:s7], $0x5FFFF  }
0xac: {  	[dreg:$0x1] =	wrdreg $0xFFFFFFFF  }
0xad: {  	[dreg:$0x0] =	wrdreg $0x60  }
0xae: {  	[dreg:$0x2] =	wrdreg s24  }
0xaf: {  	[dreg:$0x3] =	wrdreg s2  }
0xb0: {  	[dreg:$0x4] =	wrdreg $0x9  }
0xb1: {  	_ =	task.clear_ibuf [dreg:s7], $0x5FFFF;
	_ =	strace $0x90000046  }
0xb2: {  	s29 =	simm.s32 $0x9;
	_ =	strace $0x80000048  }
0xb3: {  	_ =	swait.ge [sflag:s29], $0x1  }
0xb4: {  	[sflag:s29] =	ssyncadd.s32 $0xFFFFFFFF  }
0xb5: {  	_ =	strace $0x90000048  }
0xb6: {  	_ =	sfence  }
0xb7: {  	s30 =	sld [smem:$0x0];
	_ =	sdelay $0x2  }
0xb8: {  	s31 =	sshll.u32 s1, $0xD;
	s1 =	sshrl.u32 s1, $0x2  }
0xb9: {  	s3 =	sand.u32 $0x4000, s31;
	s1 =	sadd.s32 s1, s30  }
0xba: {  	s0 =	sor.u32 s3, s0;
	s1 =	sshll.u32 s1, $0x11  }
0xbb: {  	s0 =	sor.u32 s1, s0  }
0xbc: {  	s0 =	sadd.s32 $0x8F2B, s0  }
0xbd: {  	[sflag:s0] =	ssyncadd.remote.s32 $0x1  }
0xbe: {  	_ =	sfence.sel $0xFFFF  }
0xbf: {  	[dreg:$0x0] =	wrdreg $0xFFFFFFFF;
	(pc) =	sbr.abs _section_cstart, $3  }
0xc0: {  	[dreg:$0x1] =	wrdreg $0xFFFFFFFF  }
0xc1: {  	_ =	task.clear_ibuf [dreg:s7], $0x2FFFF;
	_ =	strace $0x9FFFFFFF  }
0xc2: {  	(tm) =	ssettm $0x7FFFFFFF  }
0xc3: {  	_ =	shalt  }
tec
execute0_lowered:
.L_overlay_start_1:
0x0: {  	(tag) =	ssettag $0x1  }
0x1: {  	s1 =	srdreg.scid  }
0x2: {  	s12 =	rddreg [dreg:$0x0];
	s0 =	stileid.u32;
	s13 =	sand.u32 $0x1, s1  }
0x3: {  	s3 =	rddreg [dreg:$0x1];
	s4 =	sshll.u32 s0, $0x6;
	s5 =	sshll.u32 s13, $0x5  }
0x4: {  	s2 =	simm.s32 $0x0;
	s1 =	rddreg [dreg:$0x2];
	s14 =	sor.u32 s5, s4  }
0x5: {  	[smem:$0x7FF] =	sst s2;
	s4 =	sshrl.u32 s14, $0x3  }
0x6: {  	_ =	strace $0x80000047;
	s4 =	sadd.s32 s3, s4;
	s3 =	simm.s32 $0x2  }
0x7: {  	[tilespmem:s2], [sflag:$0x2] =	stream.linear.gather [hbm4b:s4+s2], $0x20, $0x38;
	[tilespmem:$0x2100] =	vst v63  }
0x8: {  	_ =	swait.ge [sflag:s3], $0x20  }
0x9: {  	[sflag:s3] =	ssyncset.done $0x0  }
0xa: {  	[sflag:s3] =	ssyncadd.s32 $0xFFFFFFE0  }
0xb: {  	v0 =	vld [tilespmem:$0x0]  }
0xc: {  	v1 =	vld [tilespmem:$0x10];
	_ =	sdelay $0x3  }
0xd: {  	v0 =	vshrl.u32 v0, $0x1  }
0xe: {  	s6 =	simm.s32 $0x20;
	s7 =	simm.s32 $0x80;
	v63 =	vshrl.u32 v1, $0x1;
	[tilespmem:$0x80] =	vst v0  }
0xf: {  	s8 =	simm.s32 $0x100;
	s9 =	simm.s32 $0x1;
	s5 =	sadd.s32 $0x189600, s12;
	[tilespmem:$0x90] =	vst v63  }
0x10: {  	[tilespmem:s8], [sflag:$0x1] =	stream.indirect.gather [hbm4b:s5+s6], $0x80, s7, s6, $0xb8;
	[tilespmem:$0x2100] =	vst v63  }
0x11: {  	_ =	swait.ge [sflag:s9], $0x1000  }
0x12: {  	s11 =	simm.s32 $0x1100;
	s13 =	ssub.s32 $0x2, s13;
	[sflag:s9] =	ssyncset.done $0x0  }
0x13: {  	s10 =	sadd.s32 $0x3D3600, s12;
	s15 =	sshrl.u32 s13, $0x1;
	[sflag:s9] =	ssyncadd.s32 $0xFFFFF000  }
0x14: {  	[tilespmem:s11], [sflag:$0x1] =	stream.indirect.gather [hbm4b:s10+s6], $0x80, s7, s6, $0xb8;
	[tilespmem:$0x2100] =	vst v63  }
0x15: {  	s14 =	sshll.u32 s14, $0x4;
	s15 =	ssub.s32 s13, s15;
	_ =	swait.ge [sflag:s9], $0x1000  }
0x16: {  	s14 =	sadd.s32 s14, s12;
	s31 =	smax.u32 s15, $0x1;
	[sflag:s9] =	ssyncset.done $0x0  }
0x17: {  	s12 =	sadd.s32 $0x496C00, s14;
	p0 =	sne.s32 s31, $0x1;
	[sflag:s9] =	ssyncadd.s32 $0xFFFFF000  }
0x18: {  	[hbm4b:s12+s2] =	stream.linear.scatter [tilespmem:s8], [sflag:$0x2], $0x1000, $0x38;
	[tilespmem:$0x2100] =	vst v63  }
.Ltmp0:
0x19: {  	_ =	swait.ge [sflag:s3], $0x1000;
	(pc) =	sbr.rel @!p0 .LBB2_2-.Ltmp0, $4  }
0x1a: {  	[sflag:s3] =	ssyncset.done $0x0  }
0x1b: {  	s13 =	sadd.s32 $0x49AC00, s14;
	[sflag:s3] =	ssyncadd.s32 $0xFFFFF000  }
0x1c: {  	[hbm4b:s13+s2] =	stream.linear.scatter [tilespmem:s11], [sflag:$0x2], $0x1000, $0x38;
	[tilespmem:$0x2100] =	vst v63  }
0x1d: {  	s14 =	sadd.s32 $0xFFFFFFFF, s31;
	_ =	swait.ge [sflag:s3], $0x1000  }
.LBB2_1:
0x1e: {  	p0 =	sne.s32 s14, $0x1;
	s14 =	sadd.s32 $0xFFFFFFFF, s14;
	[sflag:s3] =	ssyncset.done $0x0  }
0x1f: {  	[sflag:s3] =	ssyncadd.s32 $0xFFFFF000  }
0x20: {  	[tilespmem:s2], [sflag:$0x2] =	stream.linear.gather [hbm4b:s4+s2], $0x20, $0x38;
	[tilespmem:$0x2100] =	vst v63  }
0x21: {  	_ =	swait.ge [sflag:s3], $0x20  }
0x22: {  	[sflag:s3] =	ssyncset.done $0x0  }
0x23: {  	[sflag:s3] =	ssyncadd.s32 $0xFFFFFFE0  }
0x24: {  	v0 =	vld [tilespmem:$0x0]  }
0x25: {  	v1 =	vld [tilespmem:$0x10];
	_ =	sdelay $0x3  }
0x26: {  	v0 =	vshrl.u32 v0, $0x1  }
0x27: {  	[tilespmem:$0x80] =	vst v0;
	v0 =	vshrl.u32 v1, $0x1  }
0x28: {  	[tilespmem:$0x90] =	vst v0  }
0x29: {  	[tilespmem:s8], [sflag:$0x1] =	stream.indirect.gather [hbm4b:s5+s6], $0x80, s7, s6, $0xb8;
	[tilespmem:$0x2100] =	vst v63  }
0x2a: {  	_ =	swait.ge [sflag:s9], $0x1000  }
0x2b: {  	[sflag:s9] =	ssyncset.done $0x0  }
0x2c: {  	[sflag:s9] =	ssyncadd.s32 $0xFFFFF000  }
0x2d: {  	[tilespmem:s11], [sflag:$0x1] =	stream.indirect.gather [hbm4b:s10+s6], $0x80, s7, s6, $0xb8;
	[tilespmem:$0x2100] =	vst v63  }
0x2e: {  	_ =	swait.ge [sflag:s9], $0x1000  }
0x2f: {  	[sflag:s9] =	ssyncset.done $0x0  }
0x30: {  	[sflag:s9] =	ssyncadd.s32 $0xFFFFF000  }
0x31: {  	[hbm4b:s12+s2] =	stream.linear.scatter [tilespmem:s8], [sflag:$0x2], $0x1000, $0x38;
	[tilespmem:$0x2100] =	vst v63  }
.Ltmp1:
0x32: {  	_ =	swait.ge [sflag:s3], $0x1000;
	(pc) =	sbr.rel @p0 .LBB2_1-.Ltmp1, $4  }
0x33: {  	[sflag:s3] =	ssyncset.done $0x0  }
0x34: {  	[sflag:s3] =	ssyncadd.s32 $0xFFFFF000  }
0x35: {  	[hbm4b:s13+s2] =	stream.linear.scatter [tilespmem:s11], [sflag:$0x2], $0x1000, $0x38;
	[tilespmem:$0x2100] =	vst v63  }
0x36: {  	_ =	swait.ge [sflag:s3], $0x1000  }
.LBB2_2:
0x37: {  	[sflag:s3] =	ssyncset.done $0x0  }
0x38: {  	[sflag:s3] =	ssyncadd.s32 $0xFFFFF000  }
0x39: {  	_ =	sfence.sel $0x180000  }
0x3a: {  	[bflag:$0x0] =	sbarrier.arrive $0xFFFF  }
0x3b: {  	p0 =	sne.s32 s0, $0x0;
	_ =	strace $0x90000047  }
0x3c: {  	s0 =	sadd.s32 @!p0 $0x100000, s1;
	[bflag:$0x2] =	sbarrier.arrive $0xFFFF  }
0x3d: {  	[sflag:s0] =	ssyncadd.tile.s32 @!p0 $0x1;
	_ =	shalt  }
.Lfunc_end2:
_tile_overlayer_lowered:
.L_overlay_start_2:
0x3e: {  	(tag) =	ssettag $0x2  }
0x3f: {  	s0 =	rddreg [dreg:$0x0];
	s2 =	stileid.u32  }
0x40: {  	s1 =	rddreg [dreg:$0x1];
	p0 =	sne.s32 s2, $0x0  }
0x41: {  	s3 =	rddreg [dreg:$0x2];
	[bflag:$0x3] =	sbarrier.arrive $0xFFFF;
	s2 =	simm.s32 @!p0 $0x1C02  }
0x42: {  	[timem:s3], [sflag:s2] =	dma.local @!p0 [hbm:s0], s1  }
0x43: {  	s0 =	simm.s32 @!p0 $0x2  }
0x44: {  	_ =	swait.ge @!p0 [sflag:s0], s1  }
0x45: {  	s1 =	ssub.s32 @!p0 $0x0, s1;
	[sflag:s0] =	ssyncset.done @!p0 $0x0  }
0x46: {  	[sflag:s0] =	ssyncadd.s32 @!p0 s1  }
0x47: {  	[bflag:$0x3] =	sbarrier.arrive $0xFFFF  }
0x48: {  	_ =	shalt  }

</sc_bundles>
